<compile_context>
chip_gen: v7x
topology: tpu7x:2x2x1
jax: 0.10.2.dev20260603
libtpu: 0.0.44.dev20260713+nightly
codegen_flags: <defaults>
</compile_context>

<pallas_src>
import functools

import numpy as np
import jax
import jax.numpy as jnp
from jax import lax
from jax.experimental import pallas as pl
from jax.experimental.pallas import tpu as pltpu
from jax.experimental.pallas import tpu_sc as plsc

_H = 512
_OUT = 384
_W0 = 96
_WROWS = 320
_LO = 128
_SCALE = 1.25
_NTILES = 32
_RPT = _OUT // _NTILES
_BROWS = 16
_SIDE = _BROWS * _H
_TBLK = _RPT * _OUT
_PLANE = _OUT * _OUT
_NPOS = 2 * _TBLK // 16


def _bilinear_mat():
    inv = _H / (_H * _SCALE)
    o = np.arange(_LO, _LO + _OUT, dtype=np.float64)
    s = (o + 0.5) * inv - 0.5
    k = np.arange(_H, dtype=np.float64)
    w = np.maximum(0.0, 1.0 - np.abs(s[:, None] - k[None, :]))
    w = w / w.sum(1, keepdims=True)
    return w.astype(np.float32)


def _gather_maps():
    src = np.arange(_H)
    tgt = np.round(src.astype(np.float32) * np.float32(_SCALE)).astype(np.int64)
    r = tgt - _LO
    ok = (r >= 0) & (r < _OUT)
    idx = np.full((_OUT,), -1, np.int64)
    idx[r[ok]] = src[ok]
    return idx


def _rlo(w):
    return (4 * (_LO + _RPT * w)) // 5 - 1


def _flat_index_table():
    idx = _gather_maps()
    tab = np.zeros((_NTILES, 2 * _TBLK), np.int32)
    for w in range(_NTILES):
        rlo = _rlo(w)
        assert _W0 <= rlo and rlo + _RPT <= _W0 + _WROWS
        for s in range(2):
            base = s * _SIDE
            gate = base + (_BROWS - 1) * _H
            for r in range(_RPT):
                sy = idx[w * _RPT + r]
                for c in range(_OUT):
                    sx = idx[c]
                    p = s * _TBLK + r * _OUT + c
                    if sy >= 0 and sx >= 0:
                        lrow = sy - rlo
                        assert 0 <= lrow < _RPT, (w, r, sy, rlo)
                        tab[w, p] = base + lrow * _H + sx
                    else:
                        tab[w, p] = gate
    return tab.reshape(-1)


_R = _bilinear_mat()
_CFLAT = _flat_index_table()



def _tc_body(il_ref, ir_ref, r_ref, oil_ref, oir_ref):
    r = r_ref[...]
    rt = r_ref[...].T
    for x_ref, o_ref in ((il_ref, oil_ref), (ir_ref, oir_ref)):
        for p in range(3):
            t = jnp.dot(r, x_ref[p], preferred_element_type=jnp.float32)
            o_ref[p] = jnp.dot(t, rt, preferred_element_type=jnp.float32)



def _sc_flow(dl_hbm, dr_hbm, mfl_hbm, mfr_hbm, cflat_hbm,
             odl, odr, oml, omr,
             cidx_v, b0_v, b1_v, bm_v, o0_v, o1_v, om_v, sem):
    wid = lax.axis_index("s") * 2 + lax.axis_index("c")
    rlo = (4 * (_LO + _RPT * wid)) // 5 - 1 - _W0
    boff = pl.multiple_of(rlo * _H, 8)
    coff = pl.multiple_of(wid * (2 * _TBLK), 2 * _TBLK)
    idx_cp = pltpu.make_async_copy(
        cflat_hbm.at[pl.ds(coff, 2 * _TBLK)], cidx_v, sem)
    idx_cp.start()

    n = _RPT * _H
    copies = []
    for s, (d_hbm, mf_hbm) in enumerate(((dl_hbm, mfl_hbm), (dr_hbm, mfr_hbm))):
        sb = s * _SIDE
        copies += [
            pltpu.make_async_copy(d_hbm.at[pl.ds(boff, n)],
                                  b0_v.at[pl.ds(sb, n)], sem),
            pltpu.make_async_copy(d_hbm.at[pl.ds(_WROWS * _H + boff, n)],
                                  b1_v.at[pl.ds(sb, n)], sem),
            pltpu.make_async_copy(mf_hbm.at[pl.ds(boff, n)],
                                  bm_v.at[pl.ds(sb, n)], sem),
        ]
    for c in copies:
        c.start()

    zero16 = jnp.zeros((16,), jnp.float32)
    gate0 = (_BROWS - 1) * _H

    @plsc.parallel_loop(0, _H // 16, unroll=2)
    def zbody(k):
        for buf in (b0_v, b1_v, bm_v):
            buf[pl.ds(gate0 + k * 16, 16)] = zero16
            buf[pl.ds(_SIDE + gate0 + k * 16, 16)] = zero16

    idx_cp.wait()
    for c in copies:
        c.wait()

    @plsc.parallel_loop(0, _NPOS, unroll=4)
    def jbody(i):
        pos = i * 16
        idx16 = cidx_v[pl.ds(pos, 16)]
        mg = plsc.load_gather(bm_v, [idx16])
        d0 = plsc.load_gather(b0_v, [idx16])
        d1 = plsc.load_gather(b1_v, [idx16])
        om_v[pl.ds(pos, 16)] = mg
        sm = mg * jnp.float32(_SCALE)
        o0_v[pl.ds(pos, 16)] = d0 * sm
        o1_v[pl.ds(pos, 16)] = d1 * sm

    ooff = pl.multiple_of(wid * _TBLK, _TBLK)
    pltpu.sync_copy(o0_v.at[pl.ds(0, _TBLK)], odl.at[pl.ds(ooff, _TBLK)])
    pltpu.sync_copy(o1_v.at[pl.ds(0, _TBLK)],
                    odl.at[pl.ds(_PLANE + ooff, _TBLK)])
    pltpu.sync_copy(om_v.at[pl.ds(0, _TBLK)], oml.at[pl.ds(ooff, _TBLK)])
    pltpu.sync_copy(o0_v.at[pl.ds(_TBLK, _TBLK)],
                    odr.at[pl.ds(ooff, _TBLK)])
    pltpu.sync_copy(o1_v.at[pl.ds(_TBLK, _TBLK)],
                    odr.at[pl.ds(_PLANE + ooff, _TBLK)])
    pltpu.sync_copy(om_v.at[pl.ds(_TBLK, _TBLK)], omr.at[pl.ds(ooff, _TBLK)])


_sc_call = functools.partial(
    pl.kernel,
    mesh=plsc.VectorSubcoreMesh(core_axis_name="c", subcore_axis_name="s"),
    compiler_params=pltpu.CompilerParams(
        use_tc_tiling_on_sc=False, needs_layout_passes=False),
    out_type=(
        jax.ShapeDtypeStruct((2 * _PLANE,), jnp.float32),
        jax.ShapeDtypeStruct((2 * _PLANE,), jnp.float32),
        jax.ShapeDtypeStruct((_PLANE,), jnp.float32),
        jax.ShapeDtypeStruct((_PLANE,), jnp.float32),
    ),
    scratch_types=[
        pltpu.VMEM((2 * _TBLK,), jnp.int32),
        pltpu.VMEM((2 * _SIDE,), jnp.float32),
        pltpu.VMEM((2 * _SIDE,), jnp.float32),
        pltpu.VMEM((2 * _SIDE,), jnp.float32),
        pltpu.VMEM((2 * _TBLK,), jnp.float32),
        pltpu.VMEM((2 * _TBLK,), jnp.float32),
        pltpu.VMEM((2 * _TBLK,), jnp.float32),
        pltpu.SemaphoreType.DMA,
    ],
)(_sc_flow)


def kernel(img_left, img_right, dsp_left, dsp_right, mask_left, mask_right):
    oil, oir = pl.pallas_call(
        _tc_body,
        out_shape=(
            jax.ShapeDtypeStruct((3, _OUT, _OUT), jnp.float32),
            jax.ShapeDtypeStruct((3, _OUT, _OUT), jnp.float32),
        ),
    )(img_left, img_right, jnp.asarray(_R))

    win = slice(_W0, _W0 + _WROWS)
    odl, odr, oml, omr = _sc_call(
        dsp_left[:, win, :].reshape(-1), dsp_right[:, win, :].reshape(-1),
        mask_left[win].astype(jnp.float32).reshape(-1),
        mask_right[win].astype(jnp.float32).reshape(-1),
        jnp.asarray(_CFLAT),
    )

    return (oil, oir,
            odl.reshape(2, _OUT, _OUT), odr.reshape(2, _OUT, _OUT),
            oml.reshape(_OUT, _OUT), omr.reshape(_OUT, _OUT))

# --- scband reference (transcript-rebuilt; emitter-appended) ---
"""Pipeline reference for scband-random-resize-and-crop-59468117180826 (READ-ONLY COPY).

The authoritative reference and input builder live on the scoring server;
editing this copy changes nothing except your own understanding.
"""

import jax, jax.numpy as jnp
import numpy as np

# Deterministic instantiation of the random augmentation: fixed scale/crop offsets.
SX = 1.25
SY = 1.25
CROP_H, CROP_W = 384, 384
Y0, X0 = 128, 128


def _resize_sparse_flow(flow, valid_mask, sx, sy, h_new, w_new):
    # flow: [2, h, w] float; valid_mask: [h, w] bool
    h, w = flow.shape[-2:]
    jj, ii = jnp.meshgrid(jnp.arange(w), jnp.arange(h), indexing='xy')
    ii_new = jnp.round(ii.astype(jnp.float32) * sy).astype(jnp.int32)
    jj_new = jnp.round(jj.astype(jnp.float32) * sx).astype(jnp.int32)
    inb = valid_mask & (ii_new >= 0) & (ii_new < h_new) & (jj_new >= 0) & (jj_new < w_new)
    # out-of-bounds flat index -> dropped by scatter mode='drop'
    flat = jnp.where(inb, ii_new * w_new + jj_new, h_new * w_new)
    scale_vec = jnp.array([sx, sy], dtype=flow.dtype)[:, None]
    vals = flow.reshape(2, -1) * scale_vec
    vals = jnp.where(inb.reshape(1, -1), vals, jnp.zeros_like(vals))
    flow_new = jnp.zeros((2, h_new * w_new), flow.dtype).at[:, flat.ravel()].set(vals, mode='drop')
    valid_new = jnp.zeros((h_new * w_new,), jnp.float32).at[flat.ravel()].set(
        jnp.where(inb.ravel(), 1.0, 0.0), mode='drop')
    return flow_new.reshape(2, h_new, w_new), valid_new.reshape(h_new, w_new)


def setup_inputs(seed: int = 0) -> dict:
    key = jax.random.key(seed)
    k1, k2, k3, k4, k5, k6 = jax.random.split(key, 6)
    img_left = jax.random.normal(k1, (3, 512, 512), dtype=jnp.float32)
    img_right = jax.random.normal(k2, (3, 512, 512), dtype=jnp.float32)
    dsp_left = jax.random.normal(k3, (2, 512, 512), dtype=jnp.float32)
    dsp_right = jax.random.normal(k4, (2, 512, 512), dtype=jnp.float32)
    mask_left = jax.random.randint(k5, (512, 512), 0, 2) > 0
    mask_right = jax.random.randint(k6, (512, 512), 0, 2) > 0
    return {
        'img_left': img_left, 'img_right': img_right,
        'dsp_left': dsp_left, 'dsp_right': dsp_right,
        'mask_left': mask_left, 'mask_right': mask_right,
    }


def reference(img_left, img_right, dsp_left, dsp_right, mask_left, mask_right):
    h, w = img_left.shape[-2:]
    new_h = int(round(h * SY))
    new_w = int(round(w * SX))
    # dense bilinear resize of the image pair (F.resize analogue)
    img_l = jax.image.resize(img_left, (img_left.shape[0], new_h, new_w), method='bilinear')
    img_r = jax.image.resize(img_right, (img_right.shape[0], new_h, new_w), method='bilinear')
    # sparse flow resize: gather valid flow values + scatter into new grid
    dsp_l, m_l = _resize_sparse_flow(dsp_left, mask_left, SX, SY, new_h, new_w)
    dsp_r, m_r = _resize_sparse_flow(dsp_right, mask_right, SX, SY, new_h, new_w)
    # deterministic crop (F.crop analogue)
    sl = (slice(Y0, Y0 + CROP_H), slice(X0, X0 + CROP_W))
    img_l = img_l[:, sl[0], sl[1]]
    img_r = img_r[:, sl[0], sl[1]]
    dsp_l = dsp_l[:, sl[0], sl[1]]
    dsp_r = dsp_r[:, sl[0], sl[1]]
    m_l = m_l[sl[0], sl[1]]
    m_r = m_r[sl[0], sl[1]]
    return (img_l, img_r, dsp_l, dsp_r, m_l, m_r)

if __name__ == "__main__":
    import jax
    _d = setup_inputs()
    print(jax.jit(kernel)(*tuple(_d.values())))

</pallas_src>

<mosaic_0001>
#map = affine_map<(d0, d1) -> (0)>
module attributes {stable_mosaic.version = 14 : i64} {
  func.func @_sc_flow(%arg0: i32, %arg1: i32, %arg2: memref<327680xf32, #tpu.memory_space<hbm>>, %arg3: memref<327680xf32, #tpu.memory_space<hbm>>, %arg4: memref<163840xf32, #tpu.memory_space<hbm>>, %arg5: memref<163840xf32, #tpu.memory_space<hbm>>, %arg6: memref<294912xi32, #tpu.memory_space<hbm>>, %arg7: memref<294912xf32, #tpu.memory_space<hbm>>, %arg8: memref<294912xf32, #tpu.memory_space<hbm>>, %arg9: memref<147456xf32, #tpu.memory_space<hbm>>, %arg10: memref<147456xf32, #tpu.memory_space<hbm>>, %arg11: memref<9216xi32, #tpu.memory_space<vmem>>, %arg12: memref<16384xf32, #tpu.memory_space<vmem>>, %arg13: memref<16384xf32, #tpu.memory_space<vmem>>, %arg14: memref<16384xf32, #tpu.memory_space<vmem>>, %arg15: memref<9216xf32, #tpu.memory_space<vmem>>, %arg16: memref<9216xf32, #tpu.memory_space<vmem>>, %arg17: memref<9216xf32, #tpu.memory_space<vmem>>, %arg18: memref<!tpu.dma_semaphore, #tpu.memory_space<semaphore_mem>>) attributes {dimension_semantics = [#tpu.dimension_semantics<core_parallel>, #tpu.dimension_semantics<subcore_parallel>], iteration_bounds = array<i64: 2, 16>, scalar_prefetch = 0 : i64, scratch_operands = 8 : i64, tpu.core_type = #tpu.core_type<sc_vector_subcore>, window_params = [{transform_indices = #map}, {transform_indices = #map}, {transform_indices = #map}, {transform_indices = #map}, {transform_indices = #map}, {transform_indices = #map}, {transform_indices = #map}, {transform_indices = #map}, {transform_indices = #map}]} {
    %mul3A = arith.constant 2 : i32
    %mul3A_0 = arith.muli %arg1, %mul3A : i32
    %add3A = arith.addi %mul3A_0, %arg0 : i32
    %mul3A_1 = arith.constant 12 : i32
    %mul3A_2 = arith.muli %mul3A_1, %add3A : i32
    %add3A_3 = arith.constant 128 : i32
    %add3A_4 = arith.addi %add3A_3, %mul3A_2 : i32
    %mul3A_5 = arith.constant 4 : i32
    %mul3A_6 = arith.muli %mul3A_5, %add3A_4 : i32
    %jit3A = arith.constant 5 : i32
    %div3A = arith.divsi %mul3A_6, %jit3A : i32
    %sign3A = arith.constant 0 : i32
    %sign3A_7 = arith.cmpi sgt, %mul3A_6, %sign3A : i32
    %sign3A_8 = arith.extui %sign3A_7 : i1 to i32
    %sign3A_9 = arith.constant 0 : i32
    %sign3A_10 = arith.cmpi slt, %mul3A_6, %sign3A_9 : i32
    %sign3A_11 = arith.extui %sign3A_10 : i1 to i32
    %sign3A_12 = arith.subi %sign3A_8, %sign3A_11 : i32
    %sign3A_13 = arith.constant 0 : i32
    %sign3A_14 = arith.cmpi sgt, %jit3A, %sign3A_13 : i32
    %sign3A_15 = arith.extui %sign3A_14 : i1 to i32
    %sign3A_16 = arith.constant 0 : i32
    %sign3A_17 = arith.cmpi slt, %jit3A, %sign3A_16 : i32
    %sign3A_18 = arith.extui %sign3A_17 : i1 to i32
    %sign3A_19 = arith.subi %sign3A_15, %sign3A_18 : i32
    %ne3A = arith.cmpi ne, %sign3A_12, %sign3A_19 : i32
    %rem3A = arith.remsi %mul3A_6, %jit3A : i32
    %ne3A_20 = arith.constant 0 : i32
    %ne3A_21 = arith.cmpi ne, %rem3A, %ne3A_20 : i32
    %and3A = arith.andi %ne3A, %ne3A_21 : i1
    %sub3A = arith.constant 1 : i32
    %sub3A_22 = arith.subi %div3A, %sub3A : i32
    %select_n3A = arith.select %and3A, %sub3A_22, %div3A : i32
    %sub3A_23 = arith.constant 1 : i32
    %sub3A_24 = arith.subi %select_n3A, %sub3A_23 : i32
    %sub3A_25 = arith.constant 96 : i32
    %sub3A_26 = arith.subi %sub3A_24, %sub3A_25 : i32
    %mul3A_27 = arith.constant 512 : i32
    %mul3A_28 = arith.muli %sub3A_26, %mul3A_27 : i32
    %multiple_of3A = tpu.assume_multiple %mul3A_28, 8 : i32
    %mul3A_29 = arith.constant 9216 : i32
    %mul3A_30 = arith.muli %add3A, %mul3A_29 : i32
    %multiple_of3A_31 = tpu.assume_multiple %mul3A_30, 9216 : i32
    %dma_start3A = tpu.memref_slice %arg6[%multiple_of3A_31] : memref<294912xi32, #tpu.memory_space<hbm>> -> memref<9216xi32, #tpu.memory_space<hbm>>
    %dma_start3A_32 = tpu.memref_slice %arg6[%multiple_of3A_31] : memref<294912xi32, #tpu.memory_space<hbm>> -> memref<9216xi32, #tpu.memory_space<hbm>>
    tpu.enqueue_dma source(%dma_start3A_32 : memref<9216xi32, #tpu.memory_space<hbm>>) target(%arg11 : memref<9216xi32, #tpu.memory_space<vmem>>) target_semaphore(%arg18 : memref<!tpu.dma_semaphore, #tpu.memory_space<semaphore_mem>>)
    %add3A_33 = arith.constant 163840 : i32
    %add3A_34 = arith.addi %add3A_33, %multiple_of3A : i32
    %add3A_35 = arith.constant 163840 : i32
    %add3A_36 = arith.addi %add3A_35, %multiple_of3A : i32
    %dma_start3A_37 = arith.constant 0 : i32
    %dma_start3A_38 = tpu.memref_slice %arg12[%dma_start3A_37] : memref<16384xf32, #tpu.memory_space<vmem>> -> memref<6144xf32, #tpu.memory_space<vmem>>
    %dma_start3A_39 = tpu.memref_slice %arg2[%multiple_of3A] : memref<327680xf32, #tpu.memory_space<hbm>> -> memref<6144xf32, #tpu.memory_space<hbm>>
    %dma_start3A_40 = arith.constant 0 : i32
    %dma_start3A_41 = tpu.memref_slice %arg12[%dma_start3A_40] : memref<16384xf32, #tpu.memory_space<vmem>> -> memref<6144xf32, #tpu.memory_space<vmem>>
    %dma_start3A_42 = tpu.memref_slice %arg2[%multiple_of3A] : memref<327680xf32, #tpu.memory_space<hbm>> -> memref<6144xf32, #tpu.memory_space<hbm>>
    tpu.enqueue_dma source(%dma_start3A_42 : memref<6144xf32, #tpu.memory_space<hbm>>) target(%dma_start3A_41 : memref<6144xf32, #tpu.memory_space<vmem>>) target_semaphore(%arg18 : memref<!tpu.dma_semaphore, #tpu.memory_space<semaphore_mem>>)
    %dma_start3A_43 = arith.constant 0 : i32
    %dma_start3A_44 = tpu.memref_slice %arg13[%dma_start3A_43] : memref<16384xf32, #tpu.memory_space<vmem>> -> memref<6144xf32, #tpu.memory_space<vmem>>
    %dma_start3A_45 = tpu.memref_slice %arg2[%add3A_34] : memref<327680xf32, #tpu.memory_space<hbm>> -> memref<6144xf32, #tpu.memory_space<hbm>>
    %dma_start3A_46 = arith.constant 0 : i32
    %dma_start3A_47 = tpu.memref_slice %arg13[%dma_start3A_46] : memref<16384xf32, #tpu.memory_space<vmem>> -> memref<6144xf32, #tpu.memory_space<vmem>>
    %dma_start3A_48 = tpu.memref_slice %arg2[%add3A_34] : memref<327680xf32, #tpu.memory_space<hbm>> -> memref<6144xf32, #tpu.memory_space<hbm>>
    tpu.enqueue_dma source(%dma_start3A_48 : memref<6144xf32, #tpu.memory_space<hbm>>) target(%dma_start3A_47 : memref<6144xf32, #tpu.memory_space<vmem>>) target_semaphore(%arg18 : memref<!tpu.dma_semaphore, #tpu.memory_space<semaphore_mem>>)
    %dma_start3A_49 = arith.constant 0 : i32
    %dma_start3A_50 = tpu.memref_slice %arg14[%dma_start3A_49] : memref<16384xf32, #tpu.memory_space<vmem>> -> memref<6144xf32, #tpu.memory_space<vmem>>
    %dma_start3A_51 = tpu.memref_slice %arg4[%multiple_of3A] : memref<163840xf32, #tpu.memory_space<hbm>> -> memref<6144xf32, #tpu.memory_space<hbm>>
    %dma_start3A_52 = arith.constant 0 : i32
    %dma_start3A_53 = tpu.memref_slice %arg14[%dma_start3A_52] : memref<16384xf32, #tpu.memory_space<vmem>> -> memref<6144xf32, #tpu.memory_space<vmem>>
    %dma_start3A_54 = tpu.memref_slice %arg4[%multiple_of3A] : memref<163840xf32, #tpu.memory_space<hbm>> -> memref<6144xf32, #tpu.memory_space<hbm>>
    tpu.enqueue_dma source(%dma_start3A_54 : memref<6144xf32, #tpu.memory_space<hbm>>) target(%dma_start3A_53 : memref<6144xf32, #tpu.memory_space<vmem>>) target_semaphore(%arg18 : memref<!tpu.dma_semaphore, #tpu.memory_space<semaphore_mem>>)
    %dma_start3A_55 = arith.constant 8192 : i32
    %dma_start3A_56 = tpu.memref_slice %arg12[%dma_start3A_55] : memref<16384xf32, #tpu.memory_space<vmem>> -> memref<6144xf32, #tpu.memory_space<vmem>>
    %dma_start3A_57 = tpu.memref_slice %arg3[%multiple_of3A] : memref<327680xf32, #tpu.memory_space<hbm>> -> memref<6144xf32, #tpu.memory_space<hbm>>
    %dma_start3A_58 = arith.constant 8192 : i32
    %dma_start3A_59 = tpu.memref_slice %arg12[%dma_start3A_58] : memref<16384xf32, #tpu.memory_space<vmem>> -> memref<6144xf32, #tpu.memory_space<vmem>>
    %dma_start3A_60 = tpu.memref_slice %arg3[%multiple_of3A] : memref<327680xf32, #tpu.memory_space<hbm>> -> memref<6144xf32, #tpu.memory_space<hbm>>
    tpu.enqueue_dma source(%dma_start3A_60 : memref<6144xf32, #tpu.memory_space<hbm>>) target(%dma_start3A_59 : memref<6144xf32, #tpu.memory_space<vmem>>) target_semaphore(%arg18 : memref<!tpu.dma_semaphore, #tpu.memory_space<semaphore_mem>>)
    %dma_start3A_61 = arith.constant 8192 : i32
    %dma_start3A_62 = tpu.memref_slice %arg13[%dma_start3A_61] : memref<16384xf32, #tpu.memory_space<vmem>> -> memref<6144xf32, #tpu.memory_space<vmem>>
    %dma_start3A_63 = tpu.memref_slice %arg3[%add3A_36] : memref<327680xf32, #tpu.memory_space<hbm>> -> memref<6144xf32, #tpu.memory_space<hbm>>
    %dma_start3A_64 = arith.constant 8192 : i32
    %dma_start3A_65 = tpu.memref_slice %arg13[%dma_start3A_64] : memref<16384xf32, #tpu.memory_space<vmem>> -> memref<6144xf32, #tpu.memory_space<vmem>>
    %dma_start3A_66 = tpu.memref_slice %arg3[%add3A_36] : memref<327680xf32, #tpu.memory_space<hbm>> -> memref<6144xf32, #tpu.memory_space<hbm>>
    tpu.enqueue_dma source(%dma_start3A_66 : memref<6144xf32, #tpu.memory_space<hbm>>) target(%dma_start3A_65 : memref<6144xf32, #tpu.memory_space<vmem>>) target_semaphore(%arg18 : memref<!tpu.dma_semaphore, #tpu.memory_space<semaphore_mem>>)
    %dma_start3A_67 = arith.constant 8192 : i32
    %dma_start3A_68 = tpu.memref_slice %arg14[%dma_start3A_67] : memref<16384xf32, #tpu.memory_space<vmem>> -> memref<6144xf32, #tpu.memory_space<vmem>>
    %dma_start3A_69 = tpu.memref_slice %arg5[%multiple_of3A] : memref<163840xf32, #tpu.memory_space<hbm>> -> memref<6144xf32, #tpu.memory_space<hbm>>
    %dma_start3A_70 = arith.constant 8192 : i32
    %dma_start3A_71 = tpu.memref_slice %arg14[%dma_start3A_70] : memref<16384xf32, #tpu.memory_space<vmem>> -> memref<6144xf32, #tpu.memory_space<vmem>>
    %dma_start3A_72 = tpu.memref_slice %arg5[%multiple_of3A] : memref<163840xf32, #tpu.memory_space<hbm>> -> memref<6144xf32, #tpu.memory_space<hbm>>
    tpu.enqueue_dma source(%dma_start3A_72 : memref<6144xf32, #tpu.memory_space<hbm>>) target(%dma_start3A_71 : memref<6144xf32, #tpu.memory_space<vmem>>) target_semaphore(%arg18 : memref<!tpu.dma_semaphore, #tpu.memory_space<semaphore_mem>>)
    %broadcast_in_dim3A = arith.constant 0.000000e+00 : f32
    %broadcast_in_dim3A_73 = vector.broadcast %broadcast_in_dim3A : f32 to vector<16xf32>
    %parallel_loop3A = arith.constant 0 : i32
    %parallel_loop3A_74 = arith.constant 32 : i32
    %parallel_loop3A_75 = arith.constant 1 : i32
    scf.for %parallel_loop3A_123 = %parallel_loop3A to %parallel_loop3A_74 step %parallel_loop3A_75  : i32 {
      %parallel_loop3A_124 = arith.constant 16 : i32
      %parallel_loop3A_125 = arith.muli %parallel_loop3A_123, %parallel_loop3A_124 : i32
      %parallel_loop3A_126 = arith.constant 7680 : i32
      %parallel_loop3A_127 = arith.addi %parallel_loop3A_126, %parallel_loop3A_125 : i32
      %parallel_loop3A_128 = arith.index_cast %parallel_loop3A_127 : i32 to index
      %parallel_loop3A_129 = tpu.vector_load %arg12[%parallel_loop3A_128] {strides = array<i32>} : memref<16384xf32, #tpu.memory_space<vmem>>, vector<16xf32>,
      tpu.vector_store %arg12[%parallel_loop3A_128], %broadcast_in_dim3A_73 {strides = array<i32>} : memref<16384xf32, #tpu.memory_space<vmem>>, vector<16xf32>,
      %parallel_loop3A_130 = arith.constant 16 : i32
      %parallel_loop3A_131 = arith.muli %parallel_loop3A_123, %parallel_loop3A_130 : i32
      %parallel_loop3A_132 = arith.constant 15872 : i32
      %parallel_loop3A_133 = arith.addi %parallel_loop3A_132, %parallel_loop3A_131 : i32
      %parallel_loop3A_134 = arith.index_cast %parallel_loop3A_133 : i32 to index
      %parallel_loop3A_135 = tpu.vector_load %arg12[%parallel_loop3A_134] {strides = array<i32>} : memref<16384xf32, #tpu.memory_space<vmem>>, vector<16xf32>,
      tpu.vector_store %arg12[%parallel_loop3A_134], %broadcast_in_dim3A_73 {strides = array<i32>} : memref<16384xf32, #tpu.memory_space<vmem>>, vector<16xf32>,
      %parallel_loop3A_136 = arith.constant 16 : i32
      %parallel_loop3A_137 = arith.muli %parallel_loop3A_123, %parallel_loop3A_136 : i32
      %parallel_loop3A_138 = arith.constant 7680 : i32
      %parallel_loop3A_139 = arith.addi %parallel_loop3A_138, %parallel_loop3A_137 : i32
      %parallel_loop3A_140 = arith.index_cast %parallel_loop3A_139 : i32 to index
      %parallel_loop3A_141 = tpu.vector_load %arg13[%parallel_loop3A_140] {strides = array<i32>} : memref<16384xf32, #tpu.memory_space<vmem>>, vector<16xf32>,
      tpu.vector_store %arg13[%parallel_loop3A_140], %broadcast_in_dim3A_73 {strides = array<i32>} : memref<16384xf32, #tpu.memory_space<vmem>>, vector<16xf32>,
      %parallel_loop3A_142 = arith.constant 16 : i32
      %parallel_loop3A_143 = arith.muli %parallel_loop3A_123, %parallel_loop3A_142 : i32
      %parallel_loop3A_144 = arith.constant 15872 : i32
      %parallel_loop3A_145 = arith.addi %parallel_loop3A_144, %parallel_loop3A_143 : i32
      %parallel_loop3A_146 = arith.index_cast %parallel_loop3A_145 : i32 to index
      %parallel_loop3A_147 = tpu.vector_load %arg13[%parallel_loop3A_146] {strides = array<i32>} : memref<16384xf32, #tpu.memory_space<vmem>>, vector<16xf32>,
      tpu.vector_store %arg13[%parallel_loop3A_146], %broadcast_in_dim3A_73 {strides = array<i32>} : memref<16384xf32, #tpu.memory_space<vmem>>, vector<16xf32>,
      %parallel_loop3A_148 = arith.constant 16 : i32
      %parallel_loop3A_149 = arith.muli %parallel_loop3A_123, %parallel_loop3A_148 : i32
      %parallel_loop3A_150 = arith.constant 7680 : i32
      %parallel_loop3A_151 = arith.addi %parallel_loop3A_150, %parallel_loop3A_149 : i32
      %parallel_loop3A_152 = arith.index_cast %parallel_loop3A_151 : i32 to index
      %parallel_loop3A_153 = tpu.vector_load %arg14[%parallel_loop3A_152] {strides = array<i32>} : memref<16384xf32, #tpu.memory_space<vmem>>, vector<16xf32>,
      tpu.vector_store %arg14[%parallel_loop3A_152], %broadcast_in_dim3A_73 {strides = array<i32>} : memref<16384xf32, #tpu.memory_space<vmem>>, vector<16xf32>,
      %parallel_loop3A_154 = arith.constant 16 : i32
      %parallel_loop3A_155 = arith.muli %parallel_loop3A_123, %parallel_loop3A_154 : i32
      %parallel_loop3A_156 = arith.constant 15872 : i32
      %parallel_loop3A_157 = arith.addi %parallel_loop3A_156, %parallel_loop3A_155 : i32
      %parallel_loop3A_158 = arith.index_cast %parallel_loop3A_157 : i32 to index
      %parallel_loop3A_159 = tpu.vector_load %arg14[%parallel_loop3A_158] {strides = array<i32>} : memref<16384xf32, #tpu.memory_space<vmem>>, vector<16xf32>,
      tpu.vector_store %arg14[%parallel_loop3A_158], %broadcast_in_dim3A_73 {strides = array<i32>} : memref<16384xf32, #tpu.memory_space<vmem>>, vector<16xf32>,
    } {sc.loop_unroll_factor = 2 : i64, sc.parallel_access}
    %dma_wait3A = tpu.memref_slice %arg6[%multiple_of3A_31] : memref<294912xi32, #tpu.memory_space<hbm>> -> memref<9216xi32, #tpu.memory_space<hbm>>
    %dma_wait3A_76 = tpu.memref_slice %arg6[%multiple_of3A_31] : memref<294912xi32, #tpu.memory_space<hbm>> -> memref<9216xi32, #tpu.memory_space<hbm>>
    tpu.wait_dma2 semaphore(%arg18 : memref<!tpu.dma_semaphore, #tpu.memory_space<semaphore_mem>>) src(%dma_wait3A_76 : memref<9216xi32, #tpu.memory_space<hbm>>) dst(%arg11 : memref<9216xi32, #tpu.memory_space<vmem>>)
    %dma_wait3A_77 = arith.constant 0 : i32
    %dma_wait3A_78 = tpu.memref_slice %arg12[%dma_wait3A_77] : memref<16384xf32, #tpu.memory_space<vmem>> -> memref<6144xf32, #tpu.memory_space<vmem>>
    %dma_wait3A_79 = tpu.memref_slice %arg2[%multiple_of3A] : memref<327680xf32, #tpu.memory_space<hbm>> -> memref<6144xf32, #tpu.memory_space<hbm>>
    %dma_wait3A_80 = arith.constant 0 : i32
    %dma_wait3A_81 = tpu.memref_slice %arg12[%dma_wait3A_80] : memref<16384xf32, #tpu.memory_space<vmem>> -> memref<6144xf32, #tpu.memory_space<vmem>>
    %dma_wait3A_82 = tpu.memref_slice %arg2[%multiple_of3A] : memref<327680xf32, #tpu.memory_space<hbm>> -> memref<6144xf32, #tpu.memory_space<hbm>>
    tpu.wait_dma2 semaphore(%arg18 : memref<!tpu.dma_semaphore, #tpu.memory_space<semaphore_mem>>) src(%dma_wait3A_82 : memref<6144xf32, #tpu.memory_space<hbm>>) dst(%dma_wait3A_81 : memref<6144xf32, #tpu.memory_space<vmem>>)
    %dma_wait3A_83 = arith.constant 0 : i32
    %dma_wait3A_84 = tpu.memref_slice %arg13[%dma_wait3A_83] : memref<16384xf32, #tpu.memory_space<vmem>> -> memref<6144xf32, #tpu.memory_space<vmem>>
    %dma_wait3A_85 = tpu.memref_slice %arg2[%add3A_34] : memref<327680xf32, #tpu.memory_space<hbm>> -> memref<6144xf32, #tpu.memory_space<hbm>>
    %dma_wait3A_86 = arith.constant 0 : i32
    %dma_wait3A_87 = tpu.memref_slice %arg13[%dma_wait3A_86] : memref<16384xf32, #tpu.memory_space<vmem>> -> memref<6144xf32, #tpu.memory_space<vmem>>
    %dma_wait3A_88 = tpu.memref_slice %arg2[%add3A_34] : memref<327680xf32, #tpu.memory_space<hbm>> -> memref<6144xf32, #tpu.memory_space<hbm>>
    tpu.wait_dma2 semaphore(%arg18 : memref<!tpu.dma_semaphore, #tpu.memory_space<semaphore_mem>>) src(%dma_wait3A_88 : memref<6144xf32, #tpu.memory_space<hbm>>) dst(%dma_wait3A_87 : memref<6144xf32, #tpu.memory_space<vmem>>)
    %dma_wait3A_89 = arith.constant 0 : i32
    %dma_wait3A_90 = tpu.memref_slice %arg14[%dma_wait3A_89] : memref<16384xf32, #tpu.memory_space<vmem>> -> memref<6144xf32, #tpu.memory_space<vmem>>
    %dma_wait3A_91 = tpu.memref_slice %arg4[%multiple_of3A] : memref<163840xf32, #tpu.memory_space<hbm>> -> memref<6144xf32, #tpu.memory_space<hbm>>
    %dma_wait3A_92 = arith.constant 0 : i32
    %dma_wait3A_93 = tpu.memref_slice %arg14[%dma_wait3A_92] : memref<16384xf32, #tpu.memory_space<vmem>> -> memref<6144xf32, #tpu.memory_space<vmem>>
    %dma_wait3A_94 = tpu.memref_slice %arg4[%multiple_of3A] : memref<163840xf32, #tpu.memory_space<hbm>> -> memref<6144xf32, #tpu.memory_space<hbm>>
    tpu.wait_dma2 semaphore(%arg18 : memref<!tpu.dma_semaphore, #tpu.memory_space<semaphore_mem>>) src(%dma_wait3A_94 : memref<6144xf32, #tpu.memory_space<hbm>>) dst(%dma_wait3A_93 : memref<6144xf32, #tpu.memory_space<vmem>>)
    %dma_wait3A_95 = arith.constant 8192 : i32
    %dma_wait3A_96 = tpu.memref_slice %arg12[%dma_wait3A_95] : memref<16384xf32, #tpu.memory_space<vmem>> -> memref<6144xf32, #tpu.memory_space<vmem>>
    %dma_wait3A_97 = tpu.memref_slice %arg3[%multiple_of3A] : memref<327680xf32, #tpu.memory_space<hbm>> -> memref<6144xf32, #tpu.memory_space<hbm>>
    %dma_wait3A_98 = arith.constant 8192 : i32
    %dma_wait3A_99 = tpu.memref_slice %arg12[%dma_wait3A_98] : memref<16384xf32, #tpu.memory_space<vmem>> -> memref<6144xf32, #tpu.memory_space<vmem>>
    %dma_wait3A_100 = tpu.memref_slice %arg3[%multiple_of3A] : memref<327680xf32, #tpu.memory_space<hbm>> -> memref<6144xf32, #tpu.memory_space<hbm>>
    tpu.wait_dma2 semaphore(%arg18 : memref<!tpu.dma_semaphore, #tpu.memory_space<semaphore_mem>>) src(%dma_wait3A_100 : memref<6144xf32, #tpu.memory_space<hbm>>) dst(%dma_wait3A_99 : memref<6144xf32, #tpu.memory_space<vmem>>)
    %dma_wait3A_101 = arith.constant 8192 : i32
    %dma_wait3A_102 = tpu.memref_slice %arg13[%dma_wait3A_101] : memref<16384xf32, #tpu.memory_space<vmem>> -> memref<6144xf32, #tpu.memory_space<vmem>>
    %dma_wait3A_103 = tpu.memref_slice %arg3[%add3A_36] : memref<327680xf32, #tpu.memory_space<hbm>> -> memref<6144xf32, #tpu.memory_space<hbm>>
    %dma_wait3A_104 = arith.constant 8192 : i32
    %dma_wait3A_105 = tpu.memref_slice %arg13[%dma_wait3A_104] : memref<16384xf32, #tpu.memory_space<vmem>> -> memref<6144xf32, #tpu.memory_space<vmem>>
    %dma_wait3A_106 = tpu.memref_slice %arg3[%add3A_36] : memref<327680xf32, #tpu.memory_space<hbm>> -> memref<6144xf32, #tpu.memory_space<hbm>>
    tpu.wait_dma2 semaphore(%arg18 : memref<!tpu.dma_semaphore, #tpu.memory_space<semaphore_mem>>) src(%dma_wait3A_106 : memref<6144xf32, #tpu.memory_space<hbm>>) dst(%dma_wait3A_105 : memref<6144xf32, #tpu.memory_space<vmem>>)
    %dma_wait3A_107 = arith.constant 8192 : i32
    %dma_wait3A_108 = tpu.memref_slice %arg14[%dma_wait3A_107] : memref<16384xf32, #tpu.memory_space<vmem>> -> memref<6144xf32, #tpu.memory_space<vmem>>
    %dma_wait3A_109 = tpu.memref_slice %arg5[%multiple_of3A] : memref<163840xf32, #tpu.memory_space<hbm>> -> memref<6144xf32, #tpu.memory_space<hbm>>
    %dma_wait3A_110 = arith.constant 8192 : i32
    %dma_wait3A_111 = tpu.memref_slice %arg14[%dma_wait3A_110] : memref<16384xf32, #tpu.memory_space<vmem>> -> memref<6144xf32, #tpu.memory_space<vmem>>
    %dma_wait3A_112 = tpu.memref_slice %arg5[%multiple_of3A] : memref<163840xf32, #tpu.memory_space<hbm>> -> memref<6144xf32, #tpu.memory_space<hbm>>
    tpu.wait_dma2 semaphore(%arg18 : memref<!tpu.dma_semaphore, #tpu.memory_space<semaphore_mem>>) src(%dma_wait3A_112 : memref<6144xf32, #tpu.memory_space<hbm>>) dst(%dma_wait3A_111 : memref<6144xf32, #tpu.memory_space<vmem>>)
    %parallel_loop3A_113 = arith.constant 0 : i32
    %parallel_loop3A_114 = arith.constant 576 : i32
    %parallel_loop3A_115 = arith.constant 1 : i32
    scf.for %parallel_loop3A_123 = %parallel_loop3A_113 to %parallel_loop3A_114 step %parallel_loop3A_115  : i32 {
      %parallel_loop3A_124 = arith.constant 16 : i32
      %parallel_loop3A_125 = arith.muli %parallel_loop3A_123, %parallel_loop3A_124 : i32
      %parallel_loop3A_126 = arith.index_cast %parallel_loop3A_125 : i32 to index
      %parallel_loop3A_127 = tpu.vector_load %arg11[%parallel_loop3A_126] {strides = array<i32>} : memref<9216xi32, #tpu.memory_space<vmem>>, vector<16xi32>,
      %parallel_loop3A_128 = tpu.vector_load_idx %arg14[%parallel_loop3A_127] : memref<16384xf32, #tpu.memory_space<vmem>>[vector<16xi32>], vector<16xf32>,
      %parallel_loop3A_129 = tpu.vector_load_idx %arg12[%parallel_loop3A_127] : memref<16384xf32, #tpu.memory_space<vmem>>[vector<16xi32>], vector<16xf32>,
      %parallel_loop3A_130 = tpu.vector_load_idx %arg13[%parallel_loop3A_127] : memref<16384xf32, #tpu.memory_space<vmem>>[vector<16xi32>], vector<16xf32>,
      %parallel_loop3A_131 = arith.index_cast %parallel_loop3A_125 : i32 to index
      %parallel_loop3A_132 = tpu.vector_load %arg17[%parallel_loop3A_131] {strides = array<i32>} : memref<9216xf32, #tpu.memory_space<vmem>>, vector<16xf32>,
      tpu.vector_store %arg17[%parallel_loop3A_131], %parallel_loop3A_128 {strides = array<i32>} : memref<9216xf32, #tpu.memory_space<vmem>>, vector<16xf32>,
      %parallel_loop3A_133 = arith.constant 1.250000e+00 : f32
      %parallel_loop3A_134 = vector.broadcast %parallel_loop3A_133 : f32 to vector<16xf32>
      %parallel_loop3A_135 = arith.mulf %parallel_loop3A_128, %parallel_loop3A_134 : vector<16xf32>
      %parallel_loop3A_136 = arith.mulf %parallel_loop3A_129, %parallel_loop3A_135 : vector<16xf32>
      %parallel_loop3A_137 = arith.index_cast %parallel_loop3A_125 : i32 to index
      %parallel_loop3A_138 = tpu.vector_load %arg15[%parallel_loop3A_137] {strides = array<i32>} : memref<9216xf32, #tpu.memory_space<vmem>>, vector<16xf32>,
      tpu.vector_store %arg15[%parallel_loop3A_137], %parallel_loop3A_136 {strides = array<i32>} : memref<9216xf32, #tpu.memory_space<vmem>>, vector<16xf32>,
      %parallel_loop3A_139 = arith.mulf %parallel_loop3A_130, %parallel_loop3A_135 : vector<16xf32>
      %parallel_loop3A_140 = arith.index_cast %parallel_loop3A_125 : i32 to index
      %parallel_loop3A_141 = tpu.vector_load %arg16[%parallel_loop3A_140] {strides = array<i32>} : memref<9216xf32, #tpu.memory_space<vmem>>, vector<16xf32>,
      tpu.vector_store %arg16[%parallel_loop3A_140], %parallel_loop3A_139 {strides = array<i32>} : memref<9216xf32, #tpu.memory_space<vmem>>, vector<16xf32>,
    } {sc.loop_unroll_factor = 4 : i64, sc.parallel_access}
    %mul3A_116 = arith.constant 4608 : i32
    %mul3A_117 = arith.muli %add3A, %mul3A_116 : i32
    %multiple_of3A_118 = tpu.assume_multiple %mul3A_117, 4608 : i32
    "tpu.region"() ({
      %run_scoped3A = tpu.sem_alloc : memref<!tpu.dma_semaphore, #tpu.memory_space<semaphore_mem>>
      %dma_start3A_123 = arith.constant 0 : i32
      %dma_start3A_124 = tpu.memref_slice %arg15[%dma_start3A_123] : memref<9216xf32, #tpu.memory_space<vmem>> -> memref<4608xf32, #tpu.memory_space<vmem>>
      %dma_start3A_125 = tpu.memref_slice %arg7[%multiple_of3A_118] : memref<294912xf32, #tpu.memory_space<hbm>> -> memref<4608xf32, #tpu.memory_space<hbm>>
      %dma_start3A_126 = tpu.memref_slice %arg7[%multiple_of3A_118] : memref<294912xf32, #tpu.memory_space<hbm>> -> memref<4608xf32, #tpu.memory_space<hbm>>
      %dma_start3A_127 = arith.constant 0 : i32
      %dma_start3A_128 = tpu.memref_slice %arg15[%dma_start3A_127] : memref<9216xf32, #tpu.memory_space<vmem>> -> memref<4608xf32, #tpu.memory_space<vmem>>
      tpu.enqueue_dma source(%dma_start3A_128 : memref<4608xf32, #tpu.memory_space<vmem>>) target(%dma_start3A_126 : memref<4608xf32, #tpu.memory_space<hbm>>) target_semaphore(%run_scoped3A : memref<!tpu.dma_semaphore, #tpu.memory_space<semaphore_mem>>)
      %dma_wait3A_129 = arith.constant 0 : i32
      %dma_wait3A_130 = tpu.memref_slice %arg15[%dma_wait3A_129] : memref<9216xf32, #tpu.memory_space<vmem>> -> memref<4608xf32, #tpu.memory_space<vmem>>
      %dma_wait3A_131 = tpu.memref_slice %arg7[%multiple_of3A_118] : memref<294912xf32, #tpu.memory_space<hbm>> -> memref<4608xf32, #tpu.memory_space<hbm>>
      %dma_wait3A_132 = tpu.memref_slice %arg7[%multiple_of3A_118] : memref<294912xf32, #tpu.memory_space<hbm>> -> memref<4608xf32, #tpu.memory_space<hbm>>
      %dma_wait3A_133 = arith.constant 0 : i32
      %dma_wait3A_134 = tpu.memref_slice %arg15[%dma_wait3A_133] : memref<9216xf32, #tpu.memory_space<vmem>> -> memref<4608xf32, #tpu.memory_space<vmem>>
      tpu.wait_dma2 semaphore(%run_scoped3A : memref<!tpu.dma_semaphore, #tpu.memory_space<semaphore_mem>>) src(%dma_wait3A_134 : memref<4608xf32, #tpu.memory_space<vmem>>) dst(%dma_wait3A_132 : memref<4608xf32, #tpu.memory_space<hbm>>)
      tpu.yield
    }) : () -> ()
    %add3A_119 = arith.constant 147456 : i32
    %add3A_120 = arith.addi %add3A_119, %multiple_of3A_118 : i32
    "tpu.region"() ({
      %run_scoped3A = tpu.sem_alloc : memref<!tpu.dma_semaphore, #tpu.memory_space<semaphore_mem>>
      %dma_start3A_123 = arith.constant 0 : i32
      %dma_start3A_124 = tpu.memref_slice %arg16[%dma_start3A_123] : memref<9216xf32, #tpu.memory_space<vmem>> -> memref<4608xf32, #tpu.memory_space<vmem>>
      %dma_start3A_125 = tpu.memref_slice %arg7[%add3A_120] : memref<294912xf32, #tpu.memory_space<hbm>> -> memref<4608xf32, #tpu.memory_space<hbm>>
      %dma_start3A_126 = tpu.memref_slice %arg7[%add3A_120] : memref<294912xf32, #tpu.memory_space<hbm>> -> memref<4608xf32, #tpu.memory_space<hbm>>
      %dma_start3A_127 = arith.constant 0 : i32
      %dma_start3A_128 = tpu.memref_slice %arg16[%dma_start3A_127] : memref<9216xf32, #tpu.memory_space<vmem>> -> memref<4608xf32, #tpu.memory_space<vmem>>
      tpu.enqueue_dma source(%dma_start3A_128 : memref<4608xf32, #tpu.memory_space<vmem>>) target(%dma_start3A_126 : memref<4608xf32, #tpu.memory_space<hbm>>) target_semaphore(%run_scoped3A : memref<!tpu.dma_semaphore, #tpu.memory_space<semaphore_mem>>)
      %dma_wait3A_129 = arith.constant 0 : i32
      %dma_wait3A_130 = tpu.memref_slice %arg16[%dma_wait3A_129] : memref<9216xf32, #tpu.memory_space<vmem>> -> memref<4608xf32, #tpu.memory_space<vmem>>
      %dma_wait3A_131 = tpu.memref_slice %arg7[%add3A_120] : memref<294912xf32, #tpu.memory_space<hbm>> -> memref<4608xf32, #tpu.memory_space<hbm>>
      %dma_wait3A_132 = tpu.memref_slice %arg7[%add3A_120] : memref<294912xf32, #tpu.memory_space<hbm>> -> memref<4608xf32, #tpu.memory_space<hbm>>
      %dma_wait3A_133 = arith.constant 0 : i32
      %dma_wait3A_134 = tpu.memref_slice %arg16[%dma_wait3A_133] : memref<9216xf32, #tpu.memory_space<vmem>> -> memref<4608xf32, #tpu.memory_space<vmem>>
      tpu.wait_dma2 semaphore(%run_scoped3A : memref<!tpu.dma_semaphore, #tpu.memory_space<semaphore_mem>>) src(%dma_wait3A_134 : memref<4608xf32, #tpu.memory_space<vmem>>) dst(%dma_wait3A_132 : memref<4608xf32, #tpu.memory_space<hbm>>)
      tpu.yield
    }) : () -> ()
    "tpu.region"() ({
      %run_scoped3A = tpu.sem_alloc : memref<!tpu.dma_semaphore, #tpu.memory_space<semaphore_mem>>
      %dma_start3A_123 = arith.constant 0 : i32
      %dma_start3A_124 = tpu.memref_slice %arg17[%dma_start3A_123] : memref<9216xf32, #tpu.memory_space<vmem>> -> memref<4608xf32, #tpu.memory_space<vmem>>
      %dma_start3A_125 = tpu.memref_slice %arg9[%multiple_of3A_118] : memref<147456xf32, #tpu.memory_space<hbm>> -> memref<4608xf32, #tpu.memory_space<hbm>>
      %dma_start3A_126 = tpu.memref_slice %arg9[%multiple_of3A_118] : memref<147456xf32, #tpu.memory_space<hbm>> -> memref<4608xf32, #tpu.memory_space<hbm>>
      %dma_start3A_127 = arith.constant 0 : i32
      %dma_start3A_128 = tpu.memref_slice %arg17[%dma_start3A_127] : memref<9216xf32, #tpu.memory_space<vmem>> -> memref<4608xf32, #tpu.memory_space<vmem>>
      tpu.enqueue_dma source(%dma_start3A_128 : memref<4608xf32, #tpu.memory_space<vmem>>) target(%dma_start3A_126 : memref<4608xf32, #tpu.memory_space<hbm>>) target_semaphore(%run_scoped3A : memref<!tpu.dma_semaphore, #tpu.memory_space<semaphore_mem>>)
      %dma_wait3A_129 = arith.constant 0 : i32
      %dma_wait3A_130 = tpu.memref_slice %arg17[%dma_wait3A_129] : memref<9216xf32, #tpu.memory_space<vmem>> -> memref<4608xf32, #tpu.memory_space<vmem>>
      %dma_wait3A_131 = tpu.memref_slice %arg9[%multiple_of3A_118] : memref<147456xf32, #tpu.memory_space<hbm>> -> memref<4608xf32, #tpu.memory_space<hbm>>
      %dma_wait3A_132 = tpu.memref_slice %arg9[%multiple_of3A_118] : memref<147456xf32, #tpu.memory_space<hbm>> -> memref<4608xf32, #tpu.memory_space<hbm>>
      %dma_wait3A_133 = arith.constant 0 : i32
      %dma_wait3A_134 = tpu.memref_slice %arg17[%dma_wait3A_133] : memref<9216xf32, #tpu.memory_space<vmem>> -> memref<4608xf32, #tpu.memory_space<vmem>>
      tpu.wait_dma2 semaphore(%run_scoped3A : memref<!tpu.dma_semaphore, #tpu.memory_space<semaphore_mem>>) src(%dma_wait3A_134 : memref<4608xf32, #tpu.memory_space<vmem>>) dst(%dma_wait3A_132 : memref<4608xf32, #tpu.memory_space<hbm>>)
      tpu.yield
    }) : () -> ()
    "tpu.region"() ({
      %run_scoped3A = tpu.sem_alloc : memref<!tpu.dma_semaphore, #tpu.memory_space<semaphore_mem>>
      %dma_start3A_123 = arith.constant 4608 : i32
      %dma_start3A_124 = tpu.memref_slice %arg15[%dma_start3A_123] : memref<9216xf32, #tpu.memory_space<vmem>> -> memref<4608xf32, #tpu.memory_space<vmem>>
      %dma_start3A_125 = tpu.memref_slice %arg8[%multiple_of3A_118] : memref<294912xf32, #tpu.memory_space<hbm>> -> memref<4608xf32, #tpu.memory_space<hbm>>
      %dma_start3A_126 = tpu.memref_slice %arg8[%multiple_of3A_118] : memref<294912xf32, #tpu.memory_space<hbm>> -> memref<4608xf32, #tpu.memory_space<hbm>>
      %dma_start3A_127 = arith.constant 4608 : i32
      %dma_start3A_128 = tpu.memref_slice %arg15[%dma_start3A_127] : memref<9216xf32, #tpu.memory_space<vmem>> -> memref<4608xf32, #tpu.memory_space<vmem>>
      tpu.enqueue_dma source(%dma_start3A_128 : memref<4608xf32, #tpu.memory_space<vmem>>) target(%dma_start3A_126 : memref<4608xf32, #tpu.memory_space<hbm>>) target_semaphore(%run_scoped3A : memref<!tpu.dma_semaphore, #tpu.memory_space<semaphore_mem>>)
      %dma_wait3A_129 = arith.constant 4608 : i32
      %dma_wait3A_130 = tpu.memref_slice %arg15[%dma_wait3A_129] : memref<9216xf32, #tpu.memory_space<vmem>> -> memref<4608xf32, #tpu.memory_space<vmem>>
      %dma_wait3A_131 = tpu.memref_slice %arg8[%multiple_of3A_118] : memref<294912xf32, #tpu.memory_space<hbm>> -> memref<4608xf32, #tpu.memory_space<hbm>>
      %dma_wait3A_132 = tpu.memref_slice %arg8[%multiple_of3A_118] : memref<294912xf32, #tpu.memory_space<hbm>> -> memref<4608xf32, #tpu.memory_space<hbm>>
      %dma_wait3A_133 = arith.constant 4608 : i32
      %dma_wait3A_134 = tpu.memref_slice %arg15[%dma_wait3A_133] : memref<9216xf32, #tpu.memory_space<vmem>> -> memref<4608xf32, #tpu.memory_space<vmem>>
      tpu.wait_dma2 semaphore(%run_scoped3A : memref<!tpu.dma_semaphore, #tpu.memory_space<semaphore_mem>>) src(%dma_wait3A_134 : memref<4608xf32, #tpu.memory_space<vmem>>) dst(%dma_wait3A_132 : memref<4608xf32, #tpu.memory_space<hbm>>)
      tpu.yield
    }) : () -> ()
    %add3A_121 = arith.constant 147456 : i32
    %add3A_122 = arith.addi %add3A_121, %multiple_of3A_118 : i32
    "tpu.region"() ({
      %run_scoped3A = tpu.sem_alloc : memref<!tpu.dma_semaphore, #tpu.memory_space<semaphore_mem>>
      %dma_start3A_123 = arith.constant 4608 : i32
      %dma_start3A_124 = tpu.memref_slice %arg16[%dma_start3A_123] : memref<9216xf32, #tpu.memory_space<vmem>> -> memref<4608xf32, #tpu.memory_space<vmem>>
      %dma_start3A_125 = tpu.memref_slice %arg8[%add3A_122] : memref<294912xf32, #tpu.memory_space<hbm>> -> memref<4608xf32, #tpu.memory_space<hbm>>
      %dma_start3A_126 = tpu.memref_slice %arg8[%add3A_122] : memref<294912xf32, #tpu.memory_space<hbm>> -> memref<4608xf32, #tpu.memory_space<hbm>>
      %dma_start3A_127 = arith.constant 4608 : i32
      %dma_start3A_128 = tpu.memref_slice %arg16[%dma_start3A_127] : memref<9216xf32, #tpu.memory_space<vmem>> -> memref<4608xf32, #tpu.memory_space<vmem>>
      tpu.enqueue_dma source(%dma_start3A_128 : memref<4608xf32, #tpu.memory_space<vmem>>) target(%dma_start3A_126 : memref<4608xf32, #tpu.memory_space<hbm>>) target_semaphore(%run_scoped3A : memref<!tpu.dma_semaphore, #tpu.memory_space<semaphore_mem>>)
      %dma_wait3A_129 = arith.constant 4608 : i32
      %dma_wait3A_130 = tpu.memref_slice %arg16[%dma_wait3A_129] : memref<9216xf32, #tpu.memory_space<vmem>> -> memref<4608xf32, #tpu.memory_space<vmem>>
      %dma_wait3A_131 = tpu.memref_slice %arg8[%add3A_122] : memref<294912xf32, #tpu.memory_space<hbm>> -> memref<4608xf32, #tpu.memory_space<hbm>>
      %dma_wait3A_132 = tpu.memref_slice %arg8[%add3A_122] : memref<294912xf32, #tpu.memory_space<hbm>> -> memref<4608xf32, #tpu.memory_space<hbm>>
      %dma_wait3A_133 = arith.constant 4608 : i32
      %dma_wait3A_134 = tpu.memref_slice %arg16[%dma_wait3A_133] : memref<9216xf32, #tpu.memory_space<vmem>> -> memref<4608xf32, #tpu.memory_space<vmem>>
      tpu.wait_dma2 semaphore(%run_scoped3A : memref<!tpu.dma_semaphore, #tpu.memory_space<semaphore_mem>>) src(%dma_wait3A_134 : memref<4608xf32, #tpu.memory_space<vmem>>) dst(%dma_wait3A_132 : memref<4608xf32, #tpu.memory_space<hbm>>)
      tpu.yield
    }) : () -> ()
    "tpu.region"() ({
      %run_scoped3A = tpu.sem_alloc : memref<!tpu.dma_semaphore, #tpu.memory_space<semaphore_mem>>
      %dma_start3A_123 = arith.constant 4608 : i32
      %dma_start3A_124 = tpu.memref_slice %arg17[%dma_start3A_123] : memref<9216xf32, #tpu.memory_space<vmem>> -> memref<4608xf32, #tpu.memory_space<vmem>>
      %dma_start3A_125 = tpu.memref_slice %arg10[%multiple_of3A_118] : memref<147456xf32, #tpu.memory_space<hbm>> -> memref<4608xf32, #tpu.memory_space<hbm>>
      %dma_start3A_126 = tpu.memref_slice %arg10[%multiple_of3A_118] : memref<147456xf32, #tpu.memory_space<hbm>> -> memref<4608xf32, #tpu.memory_space<hbm>>
      %dma_start3A_127 = arith.constant 4608 : i32
      %dma_start3A_128 = tpu.memref_slice %arg17[%dma_start3A_127] : memref<9216xf32, #tpu.memory_space<vmem>> -> memref<4608xf32, #tpu.memory_space<vmem>>
      tpu.enqueue_dma source(%dma_start3A_128 : memref<4608xf32, #tpu.memory_space<vmem>>) target(%dma_start3A_126 : memref<4608xf32, #tpu.memory_space<hbm>>) target_semaphore(%run_scoped3A : memref<!tpu.dma_semaphore, #tpu.memory_space<semaphore_mem>>)
      %dma_wait3A_129 = arith.constant 4608 : i32
      %dma_wait3A_130 = tpu.memref_slice %arg17[%dma_wait3A_129] : memref<9216xf32, #tpu.memory_space<vmem>> -> memref<4608xf32, #tpu.memory_space<vmem>>
      %dma_wait3A_131 = tpu.memref_slice %arg10[%multiple_of3A_118] : memref<147456xf32, #tpu.memory_space<hbm>> -> memref<4608xf32, #tpu.memory_space<hbm>>
      %dma_wait3A_132 = tpu.memref_slice %arg10[%multiple_of3A_118] : memref<147456xf32, #tpu.memory_space<hbm>> -> memref<4608xf32, #tpu.memory_space<hbm>>
      %dma_wait3A_133 = arith.constant 4608 : i32
      %dma_wait3A_134 = tpu.memref_slice %arg17[%dma_wait3A_133] : memref<9216xf32, #tpu.memory_space<vmem>> -> memref<4608xf32, #tpu.memory_space<vmem>>
      tpu.wait_dma2 semaphore(%run_scoped3A : memref<!tpu.dma_semaphore, #tpu.memory_space<semaphore_mem>>) src(%dma_wait3A_134 : memref<4608xf32, #tpu.memory_space<vmem>>) dst(%dma_wait3A_132 : memref<4608xf32, #tpu.memory_space<hbm>>)
      tpu.yield
    }) : () -> ()
    return
  }
}

module attributes {stable_mosaic.version = 14 : i64} {
  func.func @_tc_body(%arg0: memref<3x512x512xf32, #tpu.memory_space<vmem>>, %arg1: memref<3x512x512xf32, #tpu.memory_space<vmem>>, %arg2: memref<384x512xf32, #tpu.memory_space<vmem>>, %arg3: memref<3x384x384xf32, #tpu.memory_space<vmem>>, %arg4: memref<3x384x384xf32, #tpu.memory_space<vmem>>) attributes {dimension_semantics = [], scalar_prefetch = 0 : i64, scratch_operands = 0 : i64, tpu.core_type = #tpu.core_type<tc>} {
    %get3A = arith.constant 0 : index
    %get3A_0 = arith.constant 0 : index
    %get3A_1 = vector.load %arg2[%get3A, %get3A_0] : memref<384x512xf32, #tpu.memory_space<vmem>>, vector<384x512xf32>
    %get3A_2 = arith.constant 0 : index
    %get3A_3 = arith.constant 0 : index
    %get3A_4 = vector.load %arg2[%get3A_2, %get3A_3] : memref<384x512xf32, #tpu.memory_space<vmem>>, vector<384x512xf32>
    %transpose3A = tpu.transpose %get3A_4, [1, 0] : vector<384x512xf32> -> vector<512x384xf32>
    %get3A_5 = arith.constant 0 : index
    %get3A_6 = arith.constant 0 : index
    %get3A_7 = arith.constant 0 : index
    %get3A_8 = vector.load %arg0[%get3A_5, %get3A_6, %get3A_7] : memref<3x512x512xf32, #tpu.memory_space<vmem>>, vector<1x512x512xf32>
    %get3A_9 = vector.shape_cast %get3A_8 : vector<1x512x512xf32> to vector<512x512xf32>
    %dot_general3A = arith.constant dense<0.000000e+00> : vector<384x512xf32>
    %dot_general3A_10 = tpu.matmul %get3A_1, %get3A_9, %dot_general3A {dimension_numbers = #tpu.dot_dimension_numbers<[1], [0], [0], [1], [0, 0, 1, 1], [], []>, transpose_lhs_hint = false} : vector<384x512xf32>, vector<512x512xf32>, vector<384x512xf32> -> vector<384x512xf32>
    %dot_general3A_11 = arith.constant dense<0.000000e+00> : vector<384x384xf32>
    %dot_general3A_12 = tpu.matmul %dot_general3A_10, %transpose3A, %dot_general3A_11 {dimension_numbers = #tpu.dot_dimension_numbers<[1], [0], [0], [1], [0, 0, 1, 1], [], []>, transpose_lhs_hint = false} : vector<384x512xf32>, vector<512x384xf32>, vector<384x384xf32> -> vector<384x384xf32>
    %swap3A = arith.constant 0 : index
    %swap3A_13 = arith.constant 0 : index
    %swap3A_14 = arith.constant 0 : index
    %swap3A_15 = vector.load %arg3[%swap3A, %swap3A_13, %swap3A_14] : memref<3x384x384xf32, #tpu.memory_space<vmem>>, vector<1x384x384xf32>
    %swap3A_16 = vector.shape_cast %swap3A_15 : vector<1x384x384xf32> to vector<384x384xf32>
    %swap3A_17 = vector.shape_cast %dot_general3A_12 : vector<384x384xf32> to vector<1x384x384xf32>
    tpu.vector_store %arg3[%swap3A, %swap3A_13, %swap3A_14], %swap3A_17 {strides = array<i32>} : memref<3x384x384xf32, #tpu.memory_space<vmem>>, vector<1x384x384xf32>,
    %get3A_18 = arith.constant 1 : index
    %get3A_19 = arith.constant 0 : index
    %get3A_20 = arith.constant 0 : index
    %get3A_21 = vector.load %arg0[%get3A_18, %get3A_19, %get3A_20] : memref<3x512x512xf32, #tpu.memory_space<vmem>>, vector<1x512x512xf32>
    %get3A_22 = vector.shape_cast %get3A_21 : vector<1x512x512xf32> to vector<512x512xf32>
    %dot_general3A_23 = arith.constant dense<0.000000e+00> : vector<384x512xf32>
    %dot_general3A_24 = tpu.matmul %get3A_1, %get3A_22, %dot_general3A_23 {dimension_numbers = #tpu.dot_dimension_numbers<[1], [0], [0], [1], [0, 0, 1, 1], [], []>, transpose_lhs_hint = false} : vector<384x512xf32>, vector<512x512xf32>, vector<384x512xf32> -> vector<384x512xf32>
    %dot_general3A_25 = arith.constant dense<0.000000e+00> : vector<384x384xf32>
    %dot_general3A_26 = tpu.matmul %dot_general3A_24, %transpose3A, %dot_general3A_25 {dimension_numbers = #tpu.dot_dimension_numbers<[1], [0], [0], [1], [0, 0, 1, 1], [], []>, transpose_lhs_hint = false} : vector<384x512xf32>, vector<512x384xf32>, vector<384x384xf32> -> vector<384x384xf32>
    %swap3A_27 = arith.constant 1 : index
    %swap3A_28 = arith.constant 0 : index
    %swap3A_29 = arith.constant 0 : index
    %swap3A_30 = vector.load %arg3[%swap3A_27, %swap3A_28, %swap3A_29] : memref<3x384x384xf32, #tpu.memory_space<vmem>>, vector<1x384x384xf32>
    %swap3A_31 = vector.shape_cast %swap3A_30 : vector<1x384x384xf32> to vector<384x384xf32>
    %swap3A_32 = vector.shape_cast %dot_general3A_26 : vector<384x384xf32> to vector<1x384x384xf32>
    tpu.vector_store %arg3[%swap3A_27, %swap3A_28, %swap3A_29], %swap3A_32 {strides = array<i32>} : memref<3x384x384xf32, #tpu.memory_space<vmem>>, vector<1x384x384xf32>,
    %get3A_33 = arith.constant 2 : index
    %get3A_34 = arith.constant 0 : index
    %get3A_35 = arith.constant 0 : index
    %get3A_36 = vector.load %arg0[%get3A_33, %get3A_34, %get3A_35] : memref<3x512x512xf32, #tpu.memory_space<vmem>>, vector<1x512x512xf32>
    %get3A_37 = vector.shape_cast %get3A_36 : vector<1x512x512xf32> to vector<512x512xf32>
    %dot_general3A_38 = arith.constant dense<0.000000e+00> : vector<384x512xf32>
    %dot_general3A_39 = tpu.matmul %get3A_1, %get3A_37, %dot_general3A_38 {dimension_numbers = #tpu.dot_dimension_numbers<[1], [0], [0], [1], [0, 0, 1, 1], [], []>, transpose_lhs_hint = false} : vector<384x512xf32>, vector<512x512xf32>, vector<384x512xf32> -> vector<384x512xf32>
    %dot_general3A_40 = arith.constant dense<0.000000e+00> : vector<384x384xf32>
    %dot_general3A_41 = tpu.matmul %dot_general3A_39, %transpose3A, %dot_general3A_40 {dimension_numbers = #tpu.dot_dimension_numbers<[1], [0], [0], [1], [0, 0, 1, 1], [], []>, transpose_lhs_hint = false} : vector<384x512xf32>, vector<512x384xf32>, vector<384x384xf32> -> vector<384x384xf32>
    %swap3A_42 = arith.constant 2 : index
    %swap3A_43 = arith.constant 0 : index
    %swap3A_44 = arith.constant 0 : index
    %swap3A_45 = vector.load %arg3[%swap3A_42, %swap3A_43, %swap3A_44] : memref<3x384x384xf32, #tpu.memory_space<vmem>>, vector<1x384x384xf32>
    %swap3A_46 = vector.shape_cast %swap3A_45 : vector<1x384x384xf32> to vector<384x384xf32>
    %swap3A_47 = vector.shape_cast %dot_general3A_41 : vector<384x384xf32> to vector<1x384x384xf32>
    tpu.vector_store %arg3[%swap3A_42, %swap3A_43, %swap3A_44], %swap3A_47 {strides = array<i32>} : memref<3x384x384xf32, #tpu.memory_space<vmem>>, vector<1x384x384xf32>,
    %get3A_48 = arith.constant 0 : index
    %get3A_49 = arith.constant 0 : index
    %get3A_50 = arith.constant 0 : index
    %get3A_51 = vector.load %arg1[%get3A_48, %get3A_49, %get3A_50] : memref<3x512x512xf32, #tpu.memory_space<vmem>>, vector<1x512x512xf32>
    %get3A_52 = vector.shape_cast %get3A_51 : vector<1x512x512xf32> to vector<512x512xf32>
    %dot_general3A_53 = arith.constant dense<0.000000e+00> : vector<384x512xf32>
    %dot_general3A_54 = tpu.matmul %get3A_1, %get3A_52, %dot_general3A_53 {dimension_numbers = #tpu.dot_dimension_numbers<[1], [0], [0], [1], [0, 0, 1, 1], [], []>, transpose_lhs_hint = false} : vector<384x512xf32>, vector<512x512xf32>, vector<384x512xf32> -> vector<384x512xf32>
    %dot_general3A_55 = arith.constant dense<0.000000e+00> : vector<384x384xf32>
    %dot_general3A_56 = tpu.matmul %dot_general3A_54, %transpose3A, %dot_general3A_55 {dimension_numbers = #tpu.dot_dimension_numbers<[1], [0], [0], [1], [0, 0, 1, 1], [], []>, transpose_lhs_hint = false} : vector<384x512xf32>, vector<512x384xf32>, vector<384x384xf32> -> vector<384x384xf32>
    %swap3A_57 = arith.constant 0 : index
    %swap3A_58 = arith.constant 0 : index
    %swap3A_59 = arith.constant 0 : index
    %swap3A_60 = vector.load %arg4[%swap3A_57, %swap3A_58, %swap3A_59] : memref<3x384x384xf32, #tpu.memory_space<vmem>>, vector<1x384x384xf32>
    %swap3A_61 = vector.shape_cast %swap3A_60 : vector<1x384x384xf32> to vector<384x384xf32>
    %swap3A_62 = vector.shape_cast %dot_general3A_56 : vector<384x384xf32> to vector<1x384x384xf32>
    tpu.vector_store %arg4[%swap3A_57, %swap3A_58, %swap3A_59], %swap3A_62 {strides = array<i32>} : memref<3x384x384xf32, #tpu.memory_space<vmem>>, vector<1x384x384xf32>,
    %get3A_63 = arith.constant 1 : index
    %get3A_64 = arith.constant 0 : index
    %get3A_65 = arith.constant 0 : index
    %get3A_66 = vector.load %arg1[%get3A_63, %get3A_64, %get3A_65] : memref<3x512x512xf32, #tpu.memory_space<vmem>>, vector<1x512x512xf32>
    %get3A_67 = vector.shape_cast %get3A_66 : vector<1x512x512xf32> to vector<512x512xf32>
    %dot_general3A_68 = arith.constant dense<0.000000e+00> : vector<384x512xf32>
    %dot_general3A_69 = tpu.matmul %get3A_1, %get3A_67, %dot_general3A_68 {dimension_numbers = #tpu.dot_dimension_numbers<[1], [0], [0], [1], [0, 0, 1, 1], [], []>, transpose_lhs_hint = false} : vector<384x512xf32>, vector<512x512xf32>, vector<384x512xf32> -> vector<384x512xf32>
    %dot_general3A_70 = arith.constant dense<0.000000e+00> : vector<384x384xf32>
    %dot_general3A_71 = tpu.matmul %dot_general3A_69, %transpose3A, %dot_general3A_70 {dimension_numbers = #tpu.dot_dimension_numbers<[1], [0], [0], [1], [0, 0, 1, 1], [], []>, transpose_lhs_hint = false} : vector<384x512xf32>, vector<512x384xf32>, vector<384x384xf32> -> vector<384x384xf32>
    %swap3A_72 = arith.constant 1 : index
    %swap3A_73 = arith.constant 0 : index
    %swap3A_74 = arith.constant 0 : index
    %swap3A_75 = vector.load %arg4[%swap3A_72, %swap3A_73, %swap3A_74] : memref<3x384x384xf32, #tpu.memory_space<vmem>>, vector<1x384x384xf32>
    %swap3A_76 = vector.shape_cast %swap3A_75 : vector<1x384x384xf32> to vector<384x384xf32>
    %swap3A_77 = vector.shape_cast %dot_general3A_71 : vector<384x384xf32> to vector<1x384x384xf32>
    tpu.vector_store %arg4[%swap3A_72, %swap3A_73, %swap3A_74], %swap3A_77 {strides = array<i32>} : memref<3x384x384xf32, #tpu.memory_space<vmem>>, vector<1x384x384xf32>,
    %get3A_78 = arith.constant 2 : index
    %get3A_79 = arith.constant 0 : index
    %get3A_80 = arith.constant 0 : index
    %get3A_81 = vector.load %arg1[%get3A_78, %get3A_79, %get3A_80] : memref<3x512x512xf32, #tpu.memory_space<vmem>>, vector<1x512x512xf32>
    %get3A_82 = vector.shape_cast %get3A_81 : vector<1x512x512xf32> to vector<512x512xf32>
    %dot_general3A_83 = arith.constant dense<0.000000e+00> : vector<384x512xf32>
    %dot_general3A_84 = tpu.matmul %get3A_1, %get3A_82, %dot_general3A_83 {dimension_numbers = #tpu.dot_dimension_numbers<[1], [0], [0], [1], [0, 0, 1, 1], [], []>, transpose_lhs_hint = false} : vector<384x512xf32>, vector<512x512xf32>, vector<384x512xf32> -> vector<384x512xf32>
    %dot_general3A_85 = arith.constant dense<0.000000e+00> : vector<384x384xf32>
    %dot_general3A_86 = tpu.matmul %dot_general3A_84, %transpose3A, %dot_general3A_85 {dimension_numbers = #tpu.dot_dimension_numbers<[1], [0], [0], [1], [0, 0, 1, 1], [], []>, transpose_lhs_hint = false} : vector<384x512xf32>, vector<512x384xf32>, vector<384x384xf32> -> vector<384x384xf32>
    %swap3A_87 = arith.constant 2 : index
    %swap3A_88 = arith.constant 0 : index
    %swap3A_89 = arith.constant 0 : index
    %swap3A_90 = vector.load %arg4[%swap3A_87, %swap3A_88, %swap3A_89] : memref<3x384x384xf32, #tpu.memory_space<vmem>>, vector<1x384x384xf32>
    %swap3A_91 = vector.shape_cast %swap3A_90 : vector<1x384x384xf32> to vector<384x384xf32>
    %swap3A_92 = vector.shape_cast %dot_general3A_86 : vector<384x384xf32> to vector<1x384x384xf32>
    tpu.vector_store %arg4[%swap3A_87, %swap3A_88, %swap3A_89], %swap3A_92 {strides = array<i32>} : memref<3x384x384xf32, #tpu.memory_space<vmem>>, vector<1x384x384xf32>,
    return
  }
}

</mosaic_0001>

<sc_bundles>
// kernel: kernel.4.cloned.1.call-start
scs
__scs_entry_jumppad:
0x0: {  	(pc) =	sbr.rel $0x88, $3  }
0x1: {  	(tag) =	ssettag $0x0;
	lr =	simm.s32 $0x1  }
0x2: {  	[smem:$0x3F9B] =	sst lr;
	_ =	strace $0xD0000000  }
0x3: {  	_ = 	snop  }
0x4: {  	_ = 	snop  }
0x5: {  	_ = 	snop  }
0x6: {  	_ = 	snop  }
0x7: {  	_ = 	snop  }
__scs_overlays_trampoline_lowered:
0x8: {  	[smem:$0x3FAA] =	sst s0  }
0x9: {  	[smem:$0x3FAB] =	sst s1  }
0xa: {  	[smem:$0x3FAC] =	sst s2  }
0xb: {  	[smem:$0x3FAD] =	sst s3  }
0xc: {  	[smem:$0x3FAE] =	sst s4  }
0xd: {  	[smem:$0x3FAF] =	sst s5  }
0xe: {  	[smem:$0x3FB0] =	sst s6  }
0xf: {  	[smem:$0x3FB1] =	sst s7  }
0x10: {  	[smem:$0x3FB2] =	sst s8  }
0x11: {  	[smem:$0x3FB3] =	sst s9;
	s0 =	simm.s32 @!p0 $0x0  }
0x12: {  	s1 =	sld [smem:$0x3F99];
	s0 =	simm.s32 @p0 $0x1  }
0x13: {  	[smem:$0x3FB4] =	sst s0;
	s0 =	simm.s32 @!p1 $0x0  }
0x14: {  	s2 =	sld [smem:$0x3F98];
	s0 =	simm.s32 @p1 $0x1  }
0x15: {  	[smem:$0x3FB5] =	sst s0;
	s0 =	simm.s32 @!p2 $0x0  }
0x16: {  	s3 =	sld [smem:$0x3FDB];
	s0 =	simm.s32 @p2 $0x1  }
0x17: {  	s4 =	simm.s32 $0x1BF5;
	[smem:$0x3FB7] =	sst s0  }
0x18: {  	s0 =	sld [smem:$0x3F9A];
	_ =	swait.ge [sflag:s4], $0x0  }
0x19: {  	s7 =	sld [smem:$0x3F9B]  }
0x1a: {  	s8 =	sadd.s32 $0xFFFFE003, lr  }
0x1b: {  	s9 =	sadd.s32 $0xFFFFFEF7, lr;
	s5 =	simm.s32 $0xFFFFFFFF;
	p2 =	slt.u32 s8, $0xFFFFF086  }
0x1c: {  	p1 =	slt.u32 s9, $0xF7A;
	s5 =	simm.s32 @!p2 $0x0  }
0x1d: {  	s5 =	simm.s32 @p1 $0x1;
	p0 =	seq.s32 s7, s2  }
0x1e: {  	s7 =	smul.u32 @!p0 $0xF7A, s2;
	p2 =	seq.s32 @!p0 s5, $0x0  }
0x1f: {  	s9 =	smul.u32 $0xF7A, s1;
	s8 =	simm.s32 @!p0 $0x1BF5;
	p2 =	por !p2, p0  }
0x20: {  	[sflag:s8] =	ssyncset.s32 @!p0 $0xFFFFF086;
	s6 =	sadd.s32 @!p0 s3, s7;
	s7 =	simm.s32 @!p0 $0x108  }
0x21: {  	s3 =	sadd.s32 s3, s9;
	s6 =	sadd.s32 @!p0 $0x88, s6;
	s7 =	simm.s32 @p2 $0x1082  }
0x22: {  	[simem:s7], [sflag:s8] =	dma.local @!p0 [hbm:s6], $0xF7A  }
0x23: {  	s9 =	sor.u32 $0xD0000000, s2;
	s6 =	simm.s32 $0x108;
	_ =	swait.ge @!p0 [sflag:s8], $0x0  }
0x24: {  	s3 =	sadd.s32 $0x88, s3;
	s6 =	simm.s32 @!p1 $0x1082;
	[sflag:s4] =	ssyncset.s32 $0xFFFFF086  }
0x25: {  	[simem:s6], [sflag:s4] =	dma.local [hbm:s3], $0xF7A  }
0x26: {  	[smem:$0x3F9B] =	sst s1;
	(tag) =	ssettag s2;
	_ =	strace s9  }
0x27: {  	s1 =	sld [smem:$0x3FAB]  }
0x28: {  	s2 =	sld [smem:$0x3FAC]  }
0x29: {  	s4 =	sld [smem:$0x3FAE]  }
0x2a: {  	p0 =	seq.s32 s5, $0x0;
	s5 =	sld [smem:$0x3FAF]  }
0x2b: {  	s6 =	sld [smem:$0x3FB0]  }
0x2c: {  	s7 =	sld [smem:$0x3FB1]  }
0x2d: {  	s3 =	simm.s32 $0x108;
	s8 =	sld [smem:$0x3FB2]  }
0x2e: {  	s3 =	simm.s32 @!p0 $0x1082;
	s9 =	sld [smem:$0x3FB3]  }
0x2f: {  	lr =	sadd.s32 s0, s3;
	s0 =	sld [smem:$0x3FAA]  }
0x30: {  	s3 =	sld [smem:$0x3FAD]  }
0x31: {  	[smem:$0x3FB6] =	sst s10  }
0x32: {  	s10 =	sld [smem:$0x3FB4];
	_ =	sdelay $0x3  }
0x33: {  	p0 =	seq.s32 s10, $0x1;
	s10 =	sld [smem:$0x3FB6];
	_ =	sdelay $0x3  }
0x34: {  	[smem:$0x3FB6] =	sst s10  }
0x35: {  	s10 =	sld [smem:$0x3FB5];
	_ =	sdelay $0x3  }
0x36: {  	p1 =	seq.s32 s10, $0x1;
	s10 =	sld [smem:$0x3FB6];
	_ =	sdelay $0x3  }
0x37: {  	[smem:$0x3FB6] =	sst s10  }
0x38: {  	s10 =	sld [smem:$0x3FB7]  }
0x39: {  	_ = 	snop;
	(pc) =	sbr.ind lr, $3  }
0x3a: {  	_ = 	snop  }
0x3b: {  	_ = 	snop  }
0x3c: {  	p2 =	seq.s32 s10, $0x1;
	s10 =	sld [smem:$0x3FB6]  }
0x3d: {  	_ =	shalt  }
0x3e: {  	_ =	shalt  }
0x3f: {  	_ =	shalt  }
0x40: {  	_ =	shalt  }
0x41: {  	_ =	shalt  }
0x42: {  	_ =	shalt  }
0x43: {  	_ =	shalt  }
0x44: {  	_ =	shalt  }
0x45: {  	_ =	shalt  }
0x46: {  	_ =	shalt  }
0x47: {  	_ =	shalt  }
0x48: {  	_ =	shalt  }
0x49: {  	_ =	shalt  }
0x4a: {  	_ =	shalt  }
0x4b: {  	_ =	shalt  }
0x4c: {  	_ =	shalt  }
0x4d: {  	_ =	shalt  }
0x4e: {  	_ =	shalt  }
0x4f: {  	_ =	shalt  }
0x50: {  	_ =	shalt  }
0x51: {  	_ =	shalt  }
0x52: {  	_ =	shalt  }
0x53: {  	_ =	shalt  }
0x54: {  	_ =	shalt  }
0x55: {  	_ =	shalt  }
0x56: {  	_ =	shalt  }
0x57: {  	_ =	shalt  }
0x58: {  	_ =	shalt  }
0x59: {  	_ =	shalt  }
0x5a: {  	_ =	shalt  }
0x5b: {  	_ =	shalt  }
0x5c: {  	_ =	shalt  }
0x5d: {  	_ =	shalt  }
0x5e: {  	_ =	shalt  }
0x5f: {  	_ =	shalt  }
0x60: {  	_ =	shalt  }
0x61: {  	_ =	shalt  }
0x62: {  	_ =	shalt  }
0x63: {  	_ =	shalt  }
0x64: {  	_ =	shalt  }
0x65: {  	_ =	shalt  }
0x66: {  	_ =	shalt  }
0x67: {  	_ =	shalt  }
0x68: {  	_ =	shalt  }
0x69: {  	_ =	shalt  }
0x6a: {  	_ =	shalt  }
0x6b: {  	_ =	shalt  }
0x6c: {  	_ =	shalt  }
0x6d: {  	_ =	shalt  }
0x6e: {  	_ =	shalt  }
0x6f: {  	_ =	shalt  }
0x70: {  	_ =	shalt  }
0x71: {  	_ =	shalt  }
0x72: {  	_ =	shalt  }
0x73: {  	_ =	shalt  }
0x74: {  	_ =	shalt  }
0x75: {  	_ =	shalt  }
0x76: {  	_ =	shalt  }
0x77: {  	_ =	shalt  }
0x78: {  	_ =	shalt  }
0x79: {  	_ =	shalt  }
0x7a: {  	_ =	shalt  }
0x7b: {  	_ =	shalt  }
0x7c: {  	_ =	shalt  }
0x7d: {  	_ =	shalt  }
0x7e: {  	_ =	shalt  }
0x7f: {  	_ =	shalt  }
0x80: {  	_ =	shalt  }
0x81: {  	_ =	shalt  }
0x82: {  	_ =	shalt  }
0x83: {  	_ =	shalt  }
0x84: {  	_ =	shalt  }
0x85: {  	_ =	shalt  }
0x86: {  	_ =	shalt  }
0x87: {  	_ =	shalt  }
.Lfunc_end0:
.L_simem_size_0:
called_computation_lowered:
.L_overlay_start_0:
0x88: {  	s2 =	sld [smem:$0x3FD9]  }
0x89: {  	s3 =	sld [smem:$0x3FFE];
	_ =	sdelay $0x1  }
0x8a: {  	s1 =	srdreg.scid  }
0x8b: {  	s0 =	sand.u32 $0x1, s1  }
0x8c: {  	s14 =	sshll.u32 s0, $0xA;
	s2 =	sadd.s32 s3, s2  }
0x8d: {  	s2 =	sadd.s32 s2, s14  }
0x8e: {  	[smem:$0x3FC2] =	sst s2  }
0x8f: {  	_ = 	snop  }
0x90: {  	s2 =	sld [smem:$0x3FD0];
	_ =	sdelay $0x2  }
0x91: {  	s15 =	simm.s32 $0xA;
	s4 =	simm.s32 $0x10  }
0x92: {  	[smem:s4], [sflag:s15] =	dma.local [hbm:s2], $0x1  }
0x93: {  	_ =	swait.eq [sflag:s15], $0x1  }
0x94: {  	s16 =	sld [smem:$0x12];
	[sflag:s15] =	ssyncset.done $0x0  }
0x95: {  	s17 =	sld [smem:$0x13];
	[sflag:s15] =	ssyncadd.s32 $0xFFFFFFFF  }
0x96: {  	s18 =	sld [smem:$0x15];
	(tm) =	ssettm $0x1  }
0x97: {  	s5 =	sld [smem:$0x3FFB];
	_ =	sdelay $0x3  }
0x98: {  	_ =	strace s5  }
0x99: {  	s5 =	sld [smem:$0x3FFC];
	_ =	sdelay $0x3  }
0x9a: {  	_ =	strace s5  }
0x9b: {  	s5 =	sld [smem:$0x3FFD];
	_ =	sdelay $0x3  }
0x9c: {  	_ =	strace s5  }
0x9d: {  	_ =	strace $0x8FFFFFFF  }
0x9e: {  	s19 =	sld [smem:$0x3FDB];
	_ =	sdelay $0x1  }
0x9f: {  	s6 =	simm.s32 $_scs_section_size  }
0xa0: {  	s7 =	simm.s32 $_size__tile_overlayer_lowered;
	s8 =	simm.s32 $_tile_overlayer_lowered  }
0xa1: {  	s22 =	simm.s32 $0x1BFF;
	s21 =	sshll.u32 s8, $0x1;
	s5 =	sadd.s32 s6, s19  }
0xa2: {  	s9 =	simm.s32 $0x0;
	s20 =	sshll.u32 s7, $0x1;
	s7 =	sadd.s32 s21, s5  }
0xa3: {  	[timem:s9], [sflag:s22] =	dma.local [hbm:s7], s20  }
0xa4: {  	_ =	swait.ge [sflag:s22], s20  }
0xa5: {  	s6 =	ssub.s32 $0x0, s20;
	[sflag:s22] =	ssyncset.done $0x0  }
0xa6: {  	[sflag:s22] =	ssyncadd.s32 s6;
	_ =	sdelay $0x1  }
0xa7: {  	s23 =	simm.s32 $0x1B8B  }
0xa8: {  	_ =	swait.ge [sflag:s23], $0x1  }
0xa9: {  	[sflag:s23] =	ssyncset.done $0x0  }
0xaa: {  	s25 =	simm.s32 $0x1B8E;
	s24 =	sld [smem:$0x3FFE];
	[sflag:s23] =	ssyncadd.s32 $0xFFFFFFFF  }
0xab: {  	s26 =	simm.s32 $execute0_lowered;
	[smem:$0x3FD2] =	sst s25  }
0xac: {  	s7 =	sshll.u32 s26, $0x1;
	_ =	strace $0x80000046;
	[dreg:$0x1] =	wrdreg $0xFFFFFFFF  }
0xad: {  	s28 =	simm.s32 $_size_execute0_lowered;
	s5 =	sadd.s32 s5, s7;
	[dreg:$0x0] =	wrdreg $0x0  }
0xae: {  	s7 =	sshll.u32 s28, $0x1;
	[dreg:$0x2] =	wrdreg s5  }
0xaf: {  	[dreg:$0x3] =	wrdreg s7  }
0xb0: {  	[dreg:$0x4] =	wrdreg $0xC0  }
0xb1: {  	_ =	task [dreg:s9], $0x5FFFF  }
0xb2: {  	[dreg:$0x1] =	wrdreg $0xFFFFFFFF  }
0xb3: {  	[dreg:$0x0] =	wrdreg $0x60  }
0xb4: {  	[dreg:$0x2] =	wrdreg s24  }
0xb5: {  	[dreg:$0x3] =	wrdreg s16  }
0xb6: {  	[dreg:$0x4] =	wrdreg s17  }
0xb7: {  	[dreg:$0x5] =	wrdreg s18  }
0xb8: {  	[dreg:$0x6] =	wrdreg $0x9  }
0xb9: {  	_ =	task.clear_ibuf [dreg:s9], $0x7FFFF;
	_ =	strace $0x90000046  }
0xba: {  	s29 =	simm.s32 $0x9;
	_ =	strace $0x80000048  }
0xbb: {  	_ =	swait.ge [sflag:s29], $0x1  }
0xbc: {  	[sflag:s29] =	ssyncadd.s32 $0xFFFFFFFF  }
0xbd: {  	_ =	strace $0x90000048  }
0xbe: {  	_ =	sfence  }
0xbf: {  	s30 =	sld [smem:$0x0];
	_ =	sdelay $0x2  }
0xc0: {  	s31 =	sshll.u32 s1, $0xD;
	s1 =	sshrl.u32 s1, $0x2  }
0xc1: {  	s3 =	sand.u32 $0x4000, s31;
	s1 =	sadd.s32 s1, s30  }
0xc2: {  	s0 =	sor.u32 s3, s0;
	s1 =	sshll.u32 s1, $0x11  }
0xc3: {  	s0 =	sor.u32 s1, s0  }
0xc4: {  	s0 =	sadd.s32 $0x8F2B, s0  }
0xc5: {  	[sflag:s0] =	ssyncadd.remote.s32 $0x1  }
0xc6: {  	_ =	sfence.sel $0xFFFF  }
0xc7: {  	[dreg:$0x0] =	wrdreg $0xFFFFFFFF;
	(pc) =	sbr.abs _section_cstart, $3  }
0xc8: {  	[dreg:$0x1] =	wrdreg $0xFFFFFFFF  }
0xc9: {  	_ =	task.clear_ibuf [dreg:s9], $0x2FFFF;
	_ =	strace $0x9FFFFFFF  }
0xca: {  	(tm) =	ssettm $0x7FFFFFFF  }
0xcb: {  	_ =	shalt  }
tec
execute0_lowered:
.L_overlay_start_1:
0x0: {  	(tag) =	ssettag $0x1  }
0x1: {  	s3 =	rddreg [dreg:$0x0]  }
0x2: {  	s6 =	rddreg [dreg:$0x1]  }
0x3: {  	s0 =	srdreg.scid;
	s4 =	rddreg [dreg:$0x2]  }
0x4: {  	s1 =	stileid.u32;
	s12 =	rddreg [dreg:$0x3]  }
0x5: {  	s17 =	simm.s32 $0x2400;
	s18 =	simm.s32 $0x6400;
	s19 =	simm.s32 $0xA400  }
0x6: {  	s23 =	simm.s32 $0x1;
	s28 =	simm.s32 $0x12C00;
	s29 =	simm.s32 $0xF600  }
0x7: {  	s30 =	simm.s32 $0x11A00;
	s0 =	sand.u32 $0x1, s0;
	s1 =	sshll.u32 s1, $0x1  }
0x8: {  	s31 =	simm.s32 $0x13E00;
	s8 =	sadd.s32 $0xC400, s3;
	s1 =	sor.u32 s0, s1  }
0x9: {  	s10 =	sadd.s32 $0x2400, s3;
	s13 =	sadd.s32 $0x1B400, s3;
	s2 =	smul.u32 $0x999C0, s1  }
0xa: {  	s14 =	sadd.s32 $0x24400, s3;
	s0 =	ssub.s32 $0x2, s0;
	s9 =	smul.u32 $0x1200, s1  }
0xb: {  	s24 =	sshrl.u32 s0, $0x1;
	s1 =	smul.u32 $0x480, s1;
	s5 =	sadd.s32 $0x666800, s2  }
0xc: {  	s0 =	ssub.s32 s0, s24;
	s2 =	simm.s32 $0x0;
	s5 =	sshrl.u32 s5, $0x7  }
0xd: {  	s15 =	sshrl.u32 s9, $0x3;
	[smem:$0x7FF] =	sst s2;
	s5 =	sand.u32 $0x7FE00, s5  }
0xe: {  	s16 =	sadd.s32 s15, s3;
	s26 =	sadd.s32 $0x4800, s15;
	s7 =	sadd.s32 $0xFFFF3E00, s5  }
0xf: {  	s12 =	sadd.s32 s12, s15;
	s5 =	sshrl.u32 s5, $0x3;
	s7 =	sshrl.u32 s7, $0x3  }
0x10: {  	_ =	strace $0x80000047;
	s25 =	sadd.s32 $0x37C0, s5;
	s11 =	sadd.s32 s7, s3  }
0x11: {  	s3 =	sadd.s32 s4, s1;
	s4 =	sadd.s32 s8, s7;
	s5 =	sadd.s32 s8, s25  }
0x12: {  	s6 =	sadd.s32 s6, s7;
	s7 =	sadd.s32 s10, s7;
	s8 =	sadd.s32 s10, s25  }
0x13: {  	s10 =	sadd.s32 s13, s15;
	s25 =	simm.s32 $0x2;
	s1 =	simm.s32 $0x0  }
0x14: {  	s9 =	sadd.s32 $0x16400, s11;
	s11 =	sadd.s32 s13, s26;
	s13 =	sadd.s32 s14, s15  }
0x15: {  	v0 =	vimm.f32 $0.0e+00;
	s14 =	sadd.s32 s14, s26;
	s15 =	sadd.s32 $0x2D400, s16;
	s16 =	smax.u32 s0, $0x1  }
.LBB2_1:
0x16: {  	[tilespmem:s2], [sflag:$0x1] =	stream.linear.gather [hbm4b:s3+s2], $0x2400, $0x38;
	[tilespmem:$0x15000] =	vst v63  }
0x17: {  	_ = 	snop  }
0x18: {  	[tilespmem:s17], [sflag:$0x1] =	stream.linear.gather [hbm4b:s4+s2], $0x1800, $0x38;
	[tilespmem:$0x15000] =	vst v63  }
0x19: {  	_ = 	snop  }
0x1a: {  	[tilespmem:s18], [sflag:$0x1] =	stream.linear.gather [hbm4b:s5+s2], $0x1800, $0x38;
	[tilespmem:$0x15000] =	vst v63  }
0x1b: {  	_ = 	snop  }
0x1c: {  	[tilespmem:s19], [sflag:$0x1] =	stream.linear.gather [hbm4b:s6+s2], $0x1800, $0x38;
	[tilespmem:$0x15000] =	vst v63  }
0x1d: {  	s0 =	simm.s32 $0x4400  }
0x1e: {  	[tilespmem:s0], [sflag:$0x1] =	stream.linear.gather [hbm4b:s7+s2], $0x1800, $0x38;
	[tilespmem:$0x15000] =	vst v63  }
0x1f: {  	s24 =	simm.s32 $0x8400  }
0x20: {  	[tilespmem:s24], [sflag:$0x1] =	stream.linear.gather [hbm4b:s8+s2], $0x1800, $0x38;
	[tilespmem:$0x15000] =	vst v63  }
0x21: {  	s26 =	simm.s32 $0xC400;
	s0 =	simm.s32 $0x6210  }
0x22: {  	[tilespmem:s26], [sflag:$0x1] =	stream.linear.gather [hbm4b:s9+s2], $0x1800, $0x38;
	[tilespmem:$0x15000] =	vst v63  }
0x23: {  	[tilespmem:s0+$0x0] =	vst v0  }
0x24: {  	[tilespmem:s0+$0xFFFFE000] =	vst v0  }
0x25: {  	[tilespmem:s0+$0xFFFFDFF0] =	vst v0  }
0x26: {  	s21 =	simm.s32 $0xA210;
	[tilespmem:s0+$0xFFFFFFF0] =	vst v0  }
0x27: {  	[tilespmem:s21+$0xFFFFFFF0] =	vst v0  }
0x28: {  	[tilespmem:s21+$0xFFFFDFF0] =	vst v0  }
0x29: {  	s20 =	simm.s32 $0xE210;
	[tilespmem:s21+$0x0] =	vst v0  }
0x2a: {  	s22 =	simm.s32 $0x0;
	s24 =	simm.s32 $0xA210;
	s26 =	simm.s32 $0xE230;
	[tilespmem:s20+$0xFFFFDFF0] =	vst v0  }
.LBB2_2:
0x2b: {  	s22 =	sadd.s32 $0x2, s22;
	[tilespmem:s20+$0xFFFFFFF0] =	vst v0;
	s0 =	sadd.s32 $0x20, s0;
	s21 =	sadd.s32 $0x20, s21  }
0x2c: {  	p0 =	slt.u32 s22, $0x1E;
	[tilespmem:s24+$0xFFFFE000] =	vst v0;
	s24 =	smov.u32 s21  }
0x2d: {  	[tilespmem:s20+$0x0] =	vst v0  }
0x2e: {  	[tilespmem:s20+$0xFFFFE000] =	vst v0;
	s20 =	smov.u32 s26  }
0x2f: {  	[tilespmem:s0+$0x0] =	vst v0  }
0x30: {  	[tilespmem:s0+$0xFFFFE000] =	vst v0  }
0x31: {  	[tilespmem:s0+$0xFFFFDFF0] =	vst v0  }
.Ltmp0:
0x32: {  	[tilespmem:s0+$0xFFFFFFF0] =	vst v0;
	(pc) =	sbr.rel @p0 .LBB2_2-.Ltmp0, $4  }
0x33: {  	[tilespmem:s21+$0xFFFFFFF0] =	vst v0  }
0x34: {  	[tilespmem:s21+$0xFFFFDFF0] =	vst v0  }
0x35: {  	[tilespmem:s26+$0xFFFFDFF0] =	vst v0  }
0x36: {  	s26 =	sadd.s32 $0x20, s26;
	[tilespmem:s21+$0x0] =	vst v0  }
0x37: {  	[tilespmem:s20+$0xFFFFFFF0] =	vst v0  }
0x38: {  	[tilespmem:s24+$0xFFFFE000] =	vst v0  }
0x39: {  	[tilespmem:s20+$0x0] =	vst v0  }
0x3a: {  	[tilespmem:s20+$0xFFFFE000] =	vst v0  }
0x3b: {  	_ =	swait.ge [sflag:s23], $0x2400  }
0x3c: {  	[sflag:s23] =	ssyncset.done $0x0  }
0x3d: {  	[sflag:s23] =	ssyncadd.s32 $0xFFFFDC00  }
0x3e: {  	_ =	swait.ge [sflag:s23], $0x1800  }
0x3f: {  	[sflag:s23] =	ssyncset.done $0x0  }
0x40: {  	[sflag:s23] =	ssyncadd.s32 $0xFFFFE800  }
0x41: {  	_ =	swait.ge [sflag:s23], $0x1800  }
0x42: {  	[sflag:s23] =	ssyncset.done $0x0  }
0x43: {  	[sflag:s23] =	ssyncadd.s32 $0xFFFFE800  }
0x44: {  	_ =	swait.ge [sflag:s23], $0x1800  }
0x45: {  	[sflag:s23] =	ssyncset.done $0x0  }
0x46: {  	[sflag:s23] =	ssyncadd.s32 $0xFFFFE800  }
0x47: {  	_ =	swait.ge [sflag:s23], $0x1800  }
0x48: {  	[sflag:s23] =	ssyncset.done $0x0  }
0x49: {  	[sflag:s23] =	ssyncadd.s32 $0xFFFFE800  }
0x4a: {  	_ =	swait.ge [sflag:s23], $0x1800  }
0x4b: {  	[sflag:s23] =	ssyncset.done $0x0  }
0x4c: {  	[sflag:s23] =	ssyncadd.s32 $0xFFFFE800  }
0x4d: {  	_ =	swait.ge [sflag:s23], $0x1800  }
0x4e: {  	[sflag:s23] =	ssyncset.done $0x0  }
0x4f: {  	s0 =	simm.s32 $0x20;
	[sflag:s23] =	ssyncadd.s32 $0xFFFFE800  }
0x50: {  	v1 =	vld [tilespmem:s0+$0x10]  }
0x51: {  	v3 =	vld [tilespmem:s0+$0xFFFFFFF0];
	_ =	sdelay $0x2  }
0x52: {  	v2 =	vld [tilespmem:s0+$0xFFFFFFE0]  }
0x53: {  	s26 =	simm.s32 $0x60;
	v4 =	vld [tilespmem:s0+$0x0]  }
0x54: {  	v13 =	vld [tilespmem:s26+$0x10]  }
0x55: {  	v15 =	vld [tilespmem:s26+$0xFFFFFFE0]  }
0x56: {  	v5 =	vld.idx.msk [tilespmem:v1+s19+$0x0], $0xffff  }
0x57: {  	v6 =	vld.idx.msk [tilespmem:v3+s19+$0x0], $0xffff  }
0x58: {  	v7 =	vld.idx.msk [tilespmem:v1+s17+$0x0], $0xffff  }
0x59: {  	v8 =	vld.idx.msk [tilespmem:v1+s18+$0x0], $0xffff  }
0x5a: {  	v9 =	vld.idx.msk [tilespmem:v2+s19+$0x0], $0xffff  }
0x5b: {  	v10 =	vld.idx.msk [tilespmem:v4+s19+$0x0], $0xffff  }
0x5c: {  	v11 =	vld.idx.msk [tilespmem:v2+s17+$0x0], $0xffff  }
0x5d: {  	v12 =	vld.idx.msk [tilespmem:v2+s18+$0x0], $0xffff  }
0x5e: {  	v2 =	vld [tilespmem:s26+$0xFFFFFFF0];
	v14 =	vmul.f32 $1.250000000e+00, v5  }
0x5f: {  	s0 =	simm.s32 $0x12C20;
	v1 =	vld [tilespmem:s26+$0x0]  }
0x60: {  	v16 =	vld.idx.msk [tilespmem:v3+s18+$0x0], $0xffff;
	[tilespmem:s0+$0x10] =	vst v5;
	v7 =	vmul.f32 v14, v7  }
0x61: {  	s20 =	simm.s32 $0xE420;
	[tilespmem:s0+$0xFFFFFFE0] =	vst v9;
	v5 =	vmul.f32 v8, v14;
	v8 =	vld.idx.msk [tilespmem:v3+s17+$0x0], $0xffff  }
0x62: {  	s21 =	simm.s32 $0x10820;
	v14 =	vmul.f32 $1.250000000e+00, v9;
	v9 =	vld.idx.msk [tilespmem:v4+s18+$0x0], $0xffff;
	[tilespmem:s20+$0x10] =	vst v7  }
0x63: {  	[tilespmem:s21+$0x10] =	vst v5;
	v5 =	vld.idx.msk [tilespmem:v4+s17+$0x0], $0xffff  }
0x64: {  	[tilespmem:s0+$0xFFFFFFF0] =	vst v6;
	v3 =	vmul.f32 v14, v11;
	v7 =	vld.idx.msk [tilespmem:v13+s19+$0x0], $0xffff;
	v4 =	vmul.f32 $1.250000000e+00, v6  }
0x65: {  	v11 =	vmul.f32 v12, v14;
	v12 =	vmul.f32 $1.250000000e+00, v10;
	[tilespmem:s0+$0x0] =	vst v10;
	v10 =	vld.idx.msk [tilespmem:v13+s18+$0x0], $0xffff  }
0x66: {  	[tilespmem:s20+$0xFFFFFFE0] =	vst v3;
	v3 =	vld.idx.msk [tilespmem:v2+s19+$0x0], $0xffff;
	v8 =	vmul.f32 v4, v8  }
0x67: {  	[tilespmem:s21+$0xFFFFFFE0] =	vst v11;
	v11 =	vld.idx.msk [tilespmem:v13+s17+$0x0], $0xffff;
	v13 =	vmul.f32 v16, v4  }
0x68: {  	v6 =	vld.idx.msk [tilespmem:v15+s19+$0x0], $0xffff;
	[tilespmem:s20+$0xFFFFFFF0] =	vst v8;
	v5 =	vmul.f32 v12, v5  }
0x69: {  	v4 =	vld.idx.msk [tilespmem:v1+s19+$0x0], $0xffff;
	[tilespmem:s21+$0xFFFFFFF0] =	vst v13;
	v13 =	vmul.f32 v9, v12  }
0x6a: {  	v8 =	vld.idx.msk [tilespmem:v15+s17+$0x0], $0xffff;
	v12 =	vmul.f32 $1.250000000e+00, v7;
	[tilespmem:s20+$0x0] =	vst v5  }
0x6b: {  	s22 =	simm.s32 $0x4;
	s24 =	simm.s32 $0xA0;
	v9 =	vld.idx.msk [tilespmem:v15+s18+$0x0], $0xffff;
	v5 =	vmul.f32 $1.250000000e+00, v3;
	[tilespmem:s21+$0x0] =	vst v13  }
.LBB2_4:
0x6c: {  	v13 =	vld [tilespmem:s24+$0x10];
	v11 =	vmul.f32 v12, v11;
	s0 =	sadd.s32 $0x40, s0  }
0x6d: {  	s22 =	sadd.s32 $0x4, s22;
	s20 =	sadd.s32 $0x40, s20;
	v14 =	vld [tilespmem:s24+$0xFFFFFFF0];
	[tilespmem:s0+$0x10] =	vst v7;
	v7 =	vmul.f32 v10, v12  }
0x6e: {  	s21 =	sadd.s32 $0x40, s21;
	p0 =	slt.u32 s22, $0x23C;
	v12 =	vmul.f32 $1.250000000e+00, v6;
	v10 =	vld [tilespmem:s24+$0x0];
	[tilespmem:s20+$0x10] =	vst v11  }
0x6f: {  	v16 =	vmul.f32 $1.250000000e+00, v4;
	v15 =	vld [tilespmem:s24+$0xFFFFFFE0];
	[tilespmem:s21+$0x10] =	vst v7  }
0x70: {  	[tilespmem:s0+$0xFFFFFFE0] =	vst v6;
	v6 =	vmul.f32 v12, v8;
	v8 =	vld.idx.msk [tilespmem:v2+s17+$0x0], $0xffff  }
0x71: {  	v7 =	vmul.f32 v9, v12;
	v9 =	vld.idx.msk [tilespmem:v2+s18+$0x0], $0xffff;
	[tilespmem:s0+$0xFFFFFFF0] =	vst v3  }
0x72: {  	[tilespmem:s20+$0xFFFFFFE0] =	vst v6;
	v12 =	vld.idx.msk [tilespmem:v1+s17+$0x0], $0xffff;
	v2 =	vmov v14  }
0x73: {  	[tilespmem:s21+$0xFFFFFFE0] =	vst v7;
	v17 =	vld.idx.msk [tilespmem:v1+s18+$0x0], $0xffff;
	v1 =	vmov v10  }
0x74: {  	v7 =	vld.idx.msk [tilespmem:v13+s19+$0x0], $0xffff;
	[tilespmem:s0+$0x0] =	vst v4  }
0x75: {  	v3 =	vld.idx.msk [tilespmem:v14+s19+$0x0], $0xffff  }
0x76: {  	v4 =	vmul.f32 v5, v8;
	v11 =	vld.idx.msk [tilespmem:v13+s17+$0x0], $0xffff  }
.Ltmp1:
0x77: {  	v5 =	vmul.f32 v9, v5;
	v10 =	vld.idx.msk [tilespmem:v13+s18+$0x0], $0xffff;
	(pc) =	sbr.rel @p0 .LBB2_4-.Ltmp1, $4  }
0x78: {  	v9 =	vmul.f32 v16, v12;
	v6 =	vld.idx.msk [tilespmem:v15+s19+$0x0], $0xffff;
	[tilespmem:s20+$0xFFFFFFF0] =	vst v4  }
0x79: {  	v13 =	vmul.f32 v17, v16;
	v4 =	vld.idx.msk [tilespmem:v1+s19+$0x0], $0xffff;
	[tilespmem:s21+$0xFFFFFFF0] =	vst v5  }
0x7a: {  	v12 =	vmul.f32 $1.250000000e+00, v7;
	v8 =	vld.idx.msk [tilespmem:v15+s17+$0x0], $0xffff;
	[tilespmem:s20+$0x0] =	vst v9  }
0x7b: {  	s24 =	sadd.s32 $0x40, s24;
	v5 =	vmul.f32 $1.250000000e+00, v3;
	v9 =	vld.idx.msk [tilespmem:v15+s18+$0x0], $0xffff;
	[tilespmem:s21+$0x0] =	vst v13  }
0x7c: {  	_ =	sdelay $0x2  }
0x7d: {  	s0 =	sadd.s32 $0x40, s0  }
0x7e: {  	v58 =	vld.idx.msk [tilespmem:v2+s17+$0x0], $0xffff;
	[tilespmem:s0+$0x10] =	vst v7  }
0x7f: {  	v11 =	vmul.f32 v12, v11;
	v2 =	vld.idx.msk [tilespmem:v2+s18+$0x0], $0xffff;
	[tilespmem:s0+$0xFFFFFFE0] =	vst v6  }
0x80: {  	s20 =	sadd.s32 $0x40, s20;
	v60 =	vld.idx.msk [tilespmem:v1+s17+$0x0], $0xffff;
	v57 =	vmul.f32 $1.250000000e+00, v6;
	[tilespmem:s0+$0xFFFFFFF0] =	vst v3  }
0x81: {  	v56 =	vmul.f32 v10, v12;
	[tilespmem:s20+$0x10] =	vst v11  }
0x82: {  	s21 =	sadd.s32 $0x40, s21;
	v1 =	vld.idx.msk [tilespmem:v1+s18+$0x0], $0xffff;
	[tilespmem:s0+$0x0] =	vst v4;
	v59 =	vmul.f32 v57, v8  }
0x83: {  	v3 =	vmul.f32 $1.250000000e+00, v4;
	[tilespmem:s21+$0x10] =	vst v56;
	v61 =	vmul.f32 v9, v57  }
0x84: {  	[tilespmem:s20+$0xFFFFFFE0] =	vst v59;
	v62 =	vmul.f32 v5, v58  }
0x85: {  	v63 =	vmul.f32 v3, v60;
	[tilespmem:s21+$0xFFFFFFE0] =	vst v61  }
0x86: {  	v2 =	vmul.f32 v2, v5;
	[tilespmem:s20+$0xFFFFFFF0] =	vst v62  }
0x87: {  	v1 =	vmul.f32 v1, v3;
	[tilespmem:s20+$0x0] =	vst v63  }
0x88: {  	[tilespmem:s21+$0xFFFFFFF0] =	vst v2  }
0x89: {  	s24 =	simm.s32 $0xE400;
	[tilespmem:s21+$0x0] =	vst v1  }
0x8a: {  	[hbm4b:s10+s2] =	stream.linear.scatter [tilespmem:s24], [sflag:$0x2], $0x1200, $0x38;
	[tilespmem:$0x15000] =	vst v63  }
0x8b: {  	_ =	swait.ge [sflag:s25], $0x1200  }
0x8c: {  	[sflag:s25] =	ssyncset.done $0x0  }
0x8d: {  	s26 =	simm.s32 $0x10800;
	[sflag:s25] =	ssyncadd.s32 $0xFFFFEE00  }
0x8e: {  	[hbm4b:s11+s2] =	stream.linear.scatter [tilespmem:s26], [sflag:$0x2], $0x1200, $0x38;
	[tilespmem:$0x15000] =	vst v63  }
0x8f: {  	_ =	swait.ge [sflag:s25], $0x1200  }
0x90: {  	[sflag:s25] =	ssyncset.done $0x0  }
0x91: {  	[sflag:s25] =	ssyncadd.s32 $0xFFFFEE00  }
0x92: {  	[hbm4b:s12+s2] =	stream.linear.scatter [tilespmem:s28], [sflag:$0x2], $0x1200, $0x38;
	[tilespmem:$0x15000] =	vst v63  }
0x93: {  	_ =	swait.ge [sflag:s25], $0x1200  }
0x94: {  	[sflag:s25] =	ssyncset.done $0x0  }
0x95: {  	[sflag:s25] =	ssyncadd.s32 $0xFFFFEE00  }
0x96: {  	[hbm4b:s13+s2] =	stream.linear.scatter [tilespmem:s29], [sflag:$0x2], $0x1200, $0x38;
	[tilespmem:$0x15000] =	vst v63  }
0x97: {  	_ =	swait.ge [sflag:s25], $0x1200  }
0x98: {  	[sflag:s25] =	ssyncset.done $0x0  }
0x99: {  	[sflag:s25] =	ssyncadd.s32 $0xFFFFEE00  }
0x9a: {  	[hbm4b:s14+s2] =	stream.linear.scatter [tilespmem:s30], [sflag:$0x2], $0x1200, $0x38;
	[tilespmem:$0x15000] =	vst v63  }
0x9b: {  	s1 =	sadd.s32 $0x1, s1;
	_ =	swait.ge [sflag:s25], $0x1200  }
0x9c: {  	p0 =	sne.s32 s1, s16;
	[sflag:s25] =	ssyncset.done $0x0  }
.Ltmp2:
0x9d: {  	[sflag:s25] =	ssyncadd.s32 $0xFFFFEE00;
	(pc) =	sbr.rel @p0 .LBB2_1-.Ltmp2, $4  }
0x9e: {  	[hbm4b:s15+s2] =	stream.linear.scatter [tilespmem:s31], [sflag:$0x2], $0x1200, $0x38;
	[tilespmem:$0x15000] =	vst v63  }
0x9f: {  	_ =	swait.ge [sflag:s25], $0x1200  }
0xa0: {  	[sflag:s25] =	ssyncset.done $0x0  }
0xa1: {  	[sflag:s25] =	ssyncadd.s32 $0xFFFFEE00  }
0xa2: {  	_ =	sfence.sel $0x180000  }
0xa3: {  	[bflag:$0x0] =	sbarrier.arrive $0xFFFF  }
0xa4: {  	_ =	strace $0x90000047  }
0xa5: {  	s0 =	stileid.u32;
	[bflag:$0x2] =	sbarrier.arrive $0xFFFF  }
0xa6: {  	p0 =	sne.s32 s0, $0x0;
	s0 =	rddreg [dreg:$0x4]  }
0xa7: {  	s0 =	sadd.s32 @!p0 $0x100000, s0  }
0xa8: {  	[sflag:s0] =	ssyncadd.tile.s32 @!p0 $0x1;
	_ =	shalt  }
.Lfunc_end2:
_tile_overlayer_lowered:
.L_overlay_start_2:
0xa9: {  	(tag) =	ssettag $0x2  }
0xaa: {  	s0 =	rddreg [dreg:$0x0];
	s2 =	stileid.u32  }
0xab: {  	s1 =	rddreg [dreg:$0x1];
	p0 =	sne.s32 s2, $0x0  }
0xac: {  	s3 =	rddreg [dreg:$0x2];
	[bflag:$0x3] =	sbarrier.arrive $0xFFFF;
	s2 =	simm.s32 @!p0 $0x1C02  }
0xad: {  	[timem:s3], [sflag:s2] =	dma.local @!p0 [hbm:s0], s1  }
0xae: {  	s0 =	simm.s32 @!p0 $0x2  }
0xaf: {  	_ =	swait.ge @!p0 [sflag:s0], s1  }
0xb0: {  	s1 =	ssub.s32 @!p0 $0x0, s1;
	[sflag:s0] =	ssyncset.done @!p0 $0x0  }
0xb1: {  	[sflag:s0] =	ssyncadd.s32 @!p0 s1  }
0xb2: {  	[bflag:$0x3] =	sbarrier.arrive $0xFFFF  }
0xb3: {  	_ =	shalt  }

</sc_bundles>
